<compile_context>
chip_gen: v7x
topology: tpu7x:2x2x1
jax: 0.10.2.dev20260603
libtpu: 0.0.44.dev20260713+nightly
codegen_flags: <defaults>
</compile_context>

<pallas_src>
import functools

import jax
import jax.numpy as jnp
from jax import lax
from jax.experimental import pallas as pl
from jax.experimental.pallas import tpu as pltpu
from jax.experimental.pallas import tpu_sc as plsc

HIDDEN = 1024
NUM_EXPERTS = 8
CAP = 5120
SCHUNK = 2048
S = 8192
ROWS = 32
NVREG = S // 16


def _softmax_body(x_ref, w_ref, b_ref, out_ref):
    x = x_ref[0]
    w = w_ref[...]
    z = lax.dot_general(w, x, (((1,), (1,)), ((), ())),
                        preferred_element_type=jnp.float32)
    z = z + b_ref[...]
    m = jnp.max(z, axis=0, keepdims=True)
    e = jnp.exp(z - m)
    s = jnp.sum(e, axis=0, keepdims=True)
    out_ref[0] = e / s


def _router_weights(hidden_states, W, b):
    B, Sv, H = hidden_states.shape
    b2 = b.reshape(NUM_EXPERTS, 1)
    return pl.pallas_call(
        _softmax_body,
        grid=(B, Sv // SCHUNK),
        in_specs=[
            pl.BlockSpec((1, SCHUNK, H), lambda i, j: (i, j, 0)),
            pl.BlockSpec((NUM_EXPERTS, H), lambda i, j: (0, 0)),
            pl.BlockSpec((NUM_EXPERTS, 1), lambda i, j: (0, 0)),
        ],
        out_specs=pl.BlockSpec((1, NUM_EXPERTS, SCHUNK), lambda i, j: (i, 0, j)),
        out_shape=jax.ShapeDtypeStruct((B, NUM_EXPERTS, Sv), jnp.float32),
    )(hidden_states, W, b2)


def _make_sort_kernel():
    mesh = plsc.VectorSubcoreMesh(core_axis_name="c", subcore_axis_name="s")
    num_cores = 2

    @functools.partial(
        pl.kernel,
        mesh=mesh,
        compiler_params=pltpu.CompilerParams(needs_layout_passes=False),
        out_type=(
            jax.ShapeDtypeStruct((ROWS, CAP), jnp.float32),
            jax.ShapeDtypeStruct((ROWS, CAP), jnp.int32),
        ),
        scratch_types=[
            pltpu.VMEM((S,), jnp.float32),
            pltpu.VMEM((S,), jnp.float32),
            pltpu.VMEM((S,), jnp.int32),
            pltpu.VMEM((S,), jnp.int32),
            pltpu.VMEM((32,), jnp.int32),
        ],
    )
    def sort_rows(w_hbm, outv_hbm, outi_hbm, ka, kb, ia, ib, rn):
        wid = lax.axis_index("s") * num_cores + lax.axis_index("c")
        lane = lax.iota(jnp.int32, 16)
        zeros16 = jnp.zeros((16,), jnp.int32)

        probe, _ = plsc.scan_count(zeros16)
        occ_base = jnp.min(probe)

        pltpu.sync_copy(w_hbm.at[wid], ka)

        bufs = [(ka, ia), (kb, ib)]
        for p in range(6):
            sh = 5 * p
            src_k, src_i = bufs[p % 2]
            dst_k, dst_i = bufs[(p + 1) % 2]

            rn[pl.ds(0, 16)] = zeros16
            rn[pl.ds(16, 16)] = zeros16

            def hist_body(j, c, src_k=src_k, sh=sh):
                v = src_k[pl.ds(j * 16, 16)]
                d = lax.shift_right_logical(plsc.bitcast(v, jnp.int32), sh) & 31
                occ, last = plsc.scan_count(d)
                plsc.addupdate_scatter(rn, [d], occ - occ_base + 1, mask=last)
                return c

            lax.fori_loop(0, NVREG, hist_body, 0, unroll=4)

            h0 = rn[pl.ds(0, 16)]
            h1 = rn[pl.ds(16, 16)]
            r1 = lax.rev(h1, (0,))
            r0 = lax.rev(h0, (0,))
            c1 = plsc.cumsum(r1)
            c0 = plsc.cumsum(r0)
            tot_hi = jnp.max(c1)
            ex1 = c1 - r1
            ex0 = (c0 - r0) + tot_hi
            rn[pl.ds(0, 16)] = lax.rev(ex0, (0,))
            rn[pl.ds(16, 16)] = lax.rev(ex1, (0,))

            def perm_body(j, c, src_k=src_k, src_i=src_i,
                          dst_k=dst_k, dst_i=dst_i, sh=sh, first=(p == 0)):
                v = src_k[pl.ds(j * 16, 16)]
                iv = (j * 16 + lane) if first else src_i[pl.ds(j * 16, 16)]
                d = lax.shift_right_logical(plsc.bitcast(v, jnp.int32), sh) & 31
                occ, last = plsc.scan_count(d)
                occ0 = occ - occ_base
                base = plsc.load_gather(rn, [d])
                pos = base + occ0
                plsc.addupdate_scatter(rn, [d], occ0 + 1, mask=last)
                plsc.store_scatter(dst_k, [pos], v)
                plsc.store_scatter(dst_i, [pos], iv)
                return c

            lax.fori_loop(0, NVREG, perm_body, 0, unroll=4)

        pltpu.sync_copy(ka.at[pl.ds(0, CAP)], outv_hbm.at[wid])
        pltpu.sync_copy(ia.at[pl.ds(0, CAP)], outi_hbm.at[wid])

    return sort_rows


_sort_rows = _make_sort_kernel()


def kernel(hidden_states, W, b):
    B = hidden_states.shape[0]
    weights = _router_weights(hidden_states, W, b)
    vals, idx = _sort_rows(weights.reshape(ROWS, S))
    top_weights = jnp.transpose(vals.reshape(B, NUM_EXPERTS, CAP), (0, 2, 1))
    indices = jnp.transpose(idx.reshape(B, NUM_EXPERTS, CAP), (0, 2, 1))
    return top_weights, indices.astype(jnp.int64)

# --- scband reference (transcript-rebuilt; emitter-appended) ---
"""Pipeline reference for scband-expert-choice-router-80857054314540 (READ-ONLY COPY).

The authoritative reference and input builder live on the scoring server;
editing this copy changes nothing except your own understanding.
"""

import jax, jax.numpy as jnp
import numpy as np

HIDDEN = 1024
NUM_EXPERTS = 8
CAP_FACTOR = 1.25
B = 4
S = 8192


def setup_inputs(seed: int = 0) -> dict:
    key = jax.random.key(seed)
    k1, k2 = jax.random.split(key, 2)
    hidden_states = jax.random.normal(k1, (B, S, HIDDEN), dtype=jnp.float32)
    # nn.Linear(hidden_size, num_experts): weight [E, H], bias [E]
    W = jax.random.normal(k2, (NUM_EXPERTS, HIDDEN), dtype=jnp.float32) * (1.0 / np.sqrt(HIDDEN))
    b = jnp.zeros((NUM_EXPERTS,), dtype=jnp.float32)
    return {"hidden_states": hidden_states, "W": W, "b": b}


def reference(hidden_states, W, b):
    batch_size, seq_len, _ = hidden_states.shape
    capacity = int(batch_size * seq_len / NUM_EXPERTS * CAP_FACTOR)
    # logits: (B, S, E)
    logits = jnp.einsum('bsh,eh->bse', hidden_states, W) + b
    weights = jax.nn.softmax(logits, axis=-1)
    # torch.topk(weights, k=capacity, dim=1): top-k along the sequence dim
    w_t = jnp.transpose(weights, (0, 2, 1))  # (B, E, S)
    vals, idx = jax.lax.top_k(w_t, capacity)  # (B, E, capacity)
    top_weights = jnp.transpose(vals, (0, 2, 1))  # (B, capacity, E)
    indices = jnp.transpose(idx, (0, 2, 1)).astype(jnp.int64)  # (B, capacity, E)
    return top_weights, indices

if __name__ == "__main__":
    import jax
    _d = setup_inputs()
    print(jax.jit(kernel)(*tuple(_d.values())))

</pallas_src>

<mosaic_0001>
#map = affine_map<(d0, d1) -> (0, 0)>
module attributes {stable_mosaic.version = 14 : i64} {
  func.func @sort_rows(%arg0: i32, %arg1: i32, %arg2: memref<32x8192xf32, #tpu.memory_space<hbm>>, %arg3: memref<32x5120xf32, #tpu.memory_space<hbm>>, %arg4: memref<32x5120xi32, #tpu.memory_space<hbm>>, %arg5: memref<8192xf32, #tpu.memory_space<vmem>>, %arg6: memref<8192xf32, #tpu.memory_space<vmem>>, %arg7: memref<8192xi32, #tpu.memory_space<vmem>>, %arg8: memref<8192xi32, #tpu.memory_space<vmem>>, %arg9: memref<32xi32, #tpu.memory_space<vmem>>) attributes {dimension_semantics = [#tpu.dimension_semantics<core_parallel>, #tpu.dimension_semantics<subcore_parallel>], iteration_bounds = array<i64: 2, 16>, scalar_prefetch = 0 : i64, scratch_operands = 5 : i64, tpu.core_type = #tpu.core_type<sc_vector_subcore>, window_params = [{transform_indices = #map}, {transform_indices = #map}, {transform_indices = #map}]} {
    %mul3A = arith.constant 2 : i32
    %mul3A_0 = arith.muli %arg1, %mul3A : i32
    %add3A = arith.addi %mul3A_0, %arg0 : i32
    %iota3A = tpu.iota {dimensions = array<i32: 0>} : vector<16xi32>
    %broadcast_in_dim3A = arith.constant 0 : i32
    %broadcast_in_dim3A_1 = vector.broadcast %broadcast_in_dim3A : i32 to vector<16xi32>
    %broadcast_in_dim3A_2 = arith.constant true
    %broadcast_in_dim3A_3 = vector.broadcast %broadcast_in_dim3A_2 : i1 to vector<16xi1>
    %unique3A, %unique3A_4 = tpu.scan_count mask(%broadcast_in_dim3A_3 : vector<16xi1>) value(%broadcast_in_dim3A_1 : vector<16xi32>) : vector<16xi1>, vector<16xi32>
    %reduce_min3A = arith.constant true
    %reduce_min3A_5 = vector.broadcast %reduce_min3A : i1 to vector<16xi1>
    %reduce_min3A_6 = arith.constant -2147483648 : i32
    %reduce_min3A_7 = vector.broadcast %reduce_min3A_6 : i32 to vector<16xi32>
    %reduce_min3A_8 = arith.xori %unique3A_4, %reduce_min3A_7 : vector<16xi32>
    %reduce_min3A_9 = tpu.scan <min>, %reduce_min3A_8 masked %reduce_min3A_5 : vector<16xi32>, vector<16xi1> -> vector<16xi32>
    %reduce_min3A_10 = arith.xori %reduce_min3A_9, %reduce_min3A_7 : vector<16xi32>
    %reduce_min3A_11 = vector.extract %reduce_min3A_10[15] : i32 from vector<16xi32>
    "tpu.region"() ({
      %run_scoped3A = tpu.sem_alloc : memref<!tpu.dma_semaphore, #tpu.memory_space<semaphore_mem>>
      %dma_start3A = arith.constant 0 : i32
      %dma_start3A_377 = tpu.memref_slice %arg2[%add3A, %dma_start3A] : memref<32x8192xf32, #tpu.memory_space<hbm>> -> memref<1x8192xf32, #tpu.memory_space<hbm>>
      %dma_start3A_378 = tpu.memref_squeeze %dma_start3A_377 : memref<1x8192xf32, #tpu.memory_space<hbm>> -> memref<8192xf32, #tpu.memory_space<hbm>>
      %dma_start3A_379 = arith.constant 0 : i32
      %dma_start3A_380 = tpu.memref_slice %arg2[%add3A, %dma_start3A_379] : memref<32x8192xf32, #tpu.memory_space<hbm>> -> memref<1x8192xf32, #tpu.memory_space<hbm>>
      %dma_start3A_381 = tpu.memref_squeeze %dma_start3A_380 : memref<1x8192xf32, #tpu.memory_space<hbm>> -> memref<8192xf32, #tpu.memory_space<hbm>>
      tpu.enqueue_dma source(%dma_start3A_381 : memref<8192xf32, #tpu.memory_space<hbm>>) target(%arg5 : memref<8192xf32, #tpu.memory_space<vmem>>) target_semaphore(%run_scoped3A : memref<!tpu.dma_semaphore, #tpu.memory_space<semaphore_mem>>)
      %dma_wait3A = arith.constant 0 : i32
      %dma_wait3A_382 = tpu.memref_slice %arg2[%add3A, %dma_wait3A] : memref<32x8192xf32, #tpu.memory_space<hbm>> -> memref<1x8192xf32, #tpu.memory_space<hbm>>
      %dma_wait3A_383 = tpu.memref_squeeze %dma_wait3A_382 : memref<1x8192xf32, #tpu.memory_space<hbm>> -> memref<8192xf32, #tpu.memory_space<hbm>>
      %dma_wait3A_384 = arith.constant 0 : i32
      %dma_wait3A_385 = tpu.memref_slice %arg2[%add3A, %dma_wait3A_384] : memref<32x8192xf32, #tpu.memory_space<hbm>> -> memref<1x8192xf32, #tpu.memory_space<hbm>>
      %dma_wait3A_386 = tpu.memref_squeeze %dma_wait3A_385 : memref<1x8192xf32, #tpu.memory_space<hbm>> -> memref<8192xf32, #tpu.memory_space<hbm>>
      tpu.wait_dma2 semaphore(%run_scoped3A : memref<!tpu.dma_semaphore, #tpu.memory_space<semaphore_mem>>) src(%dma_wait3A_386 : memref<8192xf32, #tpu.memory_space<hbm>>) dst(%arg5 : memref<8192xf32, #tpu.memory_space<vmem>>)
      tpu.yield
    }) : () -> ()
    %swap3A = arith.constant 0 : index
    %swap3A_12 = tpu.vector_load %arg9[%swap3A] {strides = array<i32>} : memref<32xi32, #tpu.memory_space<vmem>>, vector<16xi32>,
    tpu.vector_store %arg9[%swap3A], %broadcast_in_dim3A_1 {strides = array<i32>} : memref<32xi32, #tpu.memory_space<vmem>>, vector<16xi32>,
    %swap3A_13 = arith.constant 16 : index
    %swap3A_14 = tpu.vector_load %arg9[%swap3A_13] {strides = array<i32>} : memref<32xi32, #tpu.memory_space<vmem>>, vector<16xi32>,
    tpu.vector_store %arg9[%swap3A_13], %broadcast_in_dim3A_1 {strides = array<i32>} : memref<32xi32, #tpu.memory_space<vmem>>, vector<16xi32>,
    %scan3A = arith.constant 0 : i32
    %scan3A_15 = arith.constant 0 : i32
    %scan3A_16 = arith.constant 512 : i32
    %scan3A_17 = arith.addi %scan3A_15, %scan3A_16 : i32
    %scan3A_18 = arith.constant 4 : i32
    scf.for %scan3A_377 = %scan3A_15 to %scan3A_17 step %scan3A_18  : i32 {
      %mul3A_378 = arith.constant 16 : i32
      %mul3A_379 = arith.muli %scan3A_377, %mul3A_378 : i32
      %get3A_380 = arith.index_cast %mul3A_379 : i32 to index
      %get3A_381 = tpu.vector_load %arg5[%get3A_380] {strides = array<i32>} : memref<8192xf32, #tpu.memory_space<vmem>>, vector<16xf32>,
      %bitcast3A = vector.bitcast %get3A_381 : vector<16xf32> to vector<16xi32>
      %shift_right_logical3A = arith.constant 0 : i32
      %shift_right_logical3A_382 = vector.broadcast %shift_right_logical3A : i32 to vector<16xi32>
      %shift_right_logical3A_383 = arith.shrui %bitcast3A, %shift_right_logical3A_382 : vector<16xi32>
      %and3A = arith.constant 31 : i32
      %and3A_384 = vector.broadcast %and3A : i32 to vector<16xi32>
      %and3A_385 = arith.andi %shift_right_logical3A_383, %and3A_384 : vector<16xi32>
      %broadcast_in_dim3A_386 = arith.constant true
      %broadcast_in_dim3A_387 = vector.broadcast %broadcast_in_dim3A_386 : i1 to vector<16xi1>
      %unique3A_388, %unique3A_389 = tpu.scan_count mask(%broadcast_in_dim3A_387 : vector<16xi1>) value(%and3A_385 : vector<16xi32>) : vector<16xi1>, vector<16xi32>
      %sub3A_390 = vector.broadcast %reduce_min3A_11 : i32 to vector<16xi32>
      %sub3A_391 = arith.subi %unique3A_389, %sub3A_390 : vector<16xi32>
      %add3A_392 = arith.constant 1 : i32
      %add3A_393 = vector.broadcast %add3A_392 : i32 to vector<16xi32>
      %add3A_394 = arith.addi %sub3A_391, %add3A_393 : vector<16xi32>
      tpu.vector_store_idx %arg9[%and3A_385], %add3A_394 masked %unique3A_388 {add = true} : memref<32xi32, #tpu.memory_space<vmem>>[vector<16xi32>], vector<16xi32>, vector<16xi1>
      %scan3A_395 = arith.constant 1 : i32
      %scan3A_396 = arith.addi %scan3A_377, %scan3A_395 : i32
      %mul3A_397 = arith.constant 16 : i32
      %mul3A_398 = arith.muli %scan3A_396, %mul3A_397 : i32
      %get3A_399 = arith.index_cast %mul3A_398 : i32 to index
      %get3A_400 = tpu.vector_load %arg5[%get3A_399] {strides = array<i32>} : memref<8192xf32, #tpu.memory_space<vmem>>, vector<16xf32>,
      %bitcast3A_401 = vector.bitcast %get3A_400 : vector<16xf32> to vector<16xi32>
      %shift_right_logical3A_402 = arith.constant 0 : i32
      %shift_right_logical3A_403 = vector.broadcast %shift_right_logical3A_402 : i32 to vector<16xi32>
      %shift_right_logical3A_404 = arith.shrui %bitcast3A_401, %shift_right_logical3A_403 : vector<16xi32>
      %and3A_405 = arith.constant 31 : i32
      %and3A_406 = vector.broadcast %and3A_405 : i32 to vector<16xi32>
      %and3A_407 = arith.andi %shift_right_logical3A_404, %and3A_406 : vector<16xi32>
      %broadcast_in_dim3A_408 = arith.constant true
      %broadcast_in_dim3A_409 = vector.broadcast %broadcast_in_dim3A_408 : i1 to vector<16xi1>
      %unique3A_410, %unique3A_411 = tpu.scan_count mask(%broadcast_in_dim3A_409 : vector<16xi1>) value(%and3A_407 : vector<16xi32>) : vector<16xi1>, vector<16xi32>
      %sub3A_412 = vector.broadcast %reduce_min3A_11 : i32 to vector<16xi32>
      %sub3A_413 = arith.subi %unique3A_411, %sub3A_412 : vector<16xi32>
      %add3A_414 = arith.constant 1 : i32
      %add3A_415 = vector.broadcast %add3A_414 : i32 to vector<16xi32>
      %add3A_416 = arith.addi %sub3A_413, %add3A_415 : vector<16xi32>
      tpu.vector_store_idx %arg9[%and3A_407], %add3A_416 masked %unique3A_410 {add = true} : memref<32xi32, #tpu.memory_space<vmem>>[vector<16xi32>], vector<16xi32>, vector<16xi1>
      %scan3A_417 = arith.constant 2 : i32
      %scan3A_418 = arith.addi %scan3A_377, %scan3A_417 : i32
      %mul3A_419 = arith.constant 16 : i32
      %mul3A_420 = arith.muli %scan3A_418, %mul3A_419 : i32
      %get3A_421 = arith.index_cast %mul3A_420 : i32 to index
      %get3A_422 = tpu.vector_load %arg5[%get3A_421] {strides = array<i32>} : memref<8192xf32, #tpu.memory_space<vmem>>, vector<16xf32>,
      %bitcast3A_423 = vector.bitcast %get3A_422 : vector<16xf32> to vector<16xi32>
      %shift_right_logical3A_424 = arith.constant 0 : i32
      %shift_right_logical3A_425 = vector.broadcast %shift_right_logical3A_424 : i32 to vector<16xi32>
      %shift_right_logical3A_426 = arith.shrui %bitcast3A_423, %shift_right_logical3A_425 : vector<16xi32>
      %and3A_427 = arith.constant 31 : i32
      %and3A_428 = vector.broadcast %and3A_427 : i32 to vector<16xi32>
      %and3A_429 = arith.andi %shift_right_logical3A_426, %and3A_428 : vector<16xi32>
      %broadcast_in_dim3A_430 = arith.constant true
      %broadcast_in_dim3A_431 = vector.broadcast %broadcast_in_dim3A_430 : i1 to vector<16xi1>
      %unique3A_432, %unique3A_433 = tpu.scan_count mask(%broadcast_in_dim3A_431 : vector<16xi1>) value(%and3A_429 : vector<16xi32>) : vector<16xi1>, vector<16xi32>
      %sub3A_434 = vector.broadcast %reduce_min3A_11 : i32 to vector<16xi32>
      %sub3A_435 = arith.subi %unique3A_433, %sub3A_434 : vector<16xi32>
      %add3A_436 = arith.constant 1 : i32
      %add3A_437 = vector.broadcast %add3A_436 : i32 to vector<16xi32>
      %add3A_438 = arith.addi %sub3A_435, %add3A_437 : vector<16xi32>
      tpu.vector_store_idx %arg9[%and3A_429], %add3A_438 masked %unique3A_432 {add = true} : memref<32xi32, #tpu.memory_space<vmem>>[vector<16xi32>], vector<16xi32>, vector<16xi1>
      %scan3A_439 = arith.constant 3 : i32
      %scan3A_440 = arith.addi %scan3A_377, %scan3A_439 : i32
      %mul3A_441 = arith.constant 16 : i32
      %mul3A_442 = arith.muli %scan3A_440, %mul3A_441 : i32
      %get3A_443 = arith.index_cast %mul3A_442 : i32 to index
      %get3A_444 = tpu.vector_load %arg5[%get3A_443] {strides = array<i32>} : memref<8192xf32, #tpu.memory_space<vmem>>, vector<16xf32>,
      %bitcast3A_445 = vector.bitcast %get3A_444 : vector<16xf32> to vector<16xi32>
      %shift_right_logical3A_446 = arith.constant 0 : i32
      %shift_right_logical3A_447 = vector.broadcast %shift_right_logical3A_446 : i32 to vector<16xi32>
      %shift_right_logical3A_448 = arith.shrui %bitcast3A_445, %shift_right_logical3A_447 : vector<16xi32>
      %and3A_449 = arith.constant 31 : i32
      %and3A_450 = vector.broadcast %and3A_449 : i32 to vector<16xi32>
      %and3A_451 = arith.andi %shift_right_logical3A_448, %and3A_450 : vector<16xi32>
      %broadcast_in_dim3A_452 = arith.constant true
      %broadcast_in_dim3A_453 = vector.broadcast %broadcast_in_dim3A_452 : i1 to vector<16xi1>
      %unique3A_454, %unique3A_455 = tpu.scan_count mask(%broadcast_in_dim3A_453 : vector<16xi1>) value(%and3A_451 : vector<16xi32>) : vector<16xi1>, vector<16xi32>
      %sub3A_456 = vector.broadcast %reduce_min3A_11 : i32 to vector<16xi32>
      %sub3A_457 = arith.subi %unique3A_455, %sub3A_456 : vector<16xi32>
      %add3A_458 = arith.constant 1 : i32
      %add3A_459 = vector.broadcast %add3A_458 : i32 to vector<16xi32>
      %add3A_460 = arith.addi %sub3A_457, %add3A_459 : vector<16xi32>
      tpu.vector_store_idx %arg9[%and3A_451], %add3A_460 masked %unique3A_454 {add = true} : memref<32xi32, #tpu.memory_space<vmem>>[vector<16xi32>], vector<16xi32>, vector<16xi1>
    }
    %scan3A_19 = arith.constant 512 : i32
    %get3A = arith.constant 0 : index
    %get3A_20 = tpu.vector_load %arg9[%get3A] {strides = array<i32>} : memref<32xi32, #tpu.memory_space<vmem>>, vector<16xi32>,
    %get3A_21 = arith.constant 16 : index
    %get3A_22 = tpu.vector_load %arg9[%get3A_21] {strides = array<i32>} : memref<32xi32, #tpu.memory_space<vmem>>, vector<16xi32>,
    %rev3A = arith.constant 15 : i32
    %rev3A_23 = vector.broadcast %rev3A : i32 to vector<16xi32>
    %rev3A_24 = tpu.iota {dimensions = array<i32: 0>} : vector<16xi32>
    %rev3A_25 = arith.subi %rev3A_23, %rev3A_24 : vector<16xi32>
    %rev3A_26 = tpu.dynamic_gather %get3A_22[%rev3A_25] in [0] : vector<16xi32>, vector<16xi32> -> vector<16xi32>
    %rev3A_27 = arith.constant 15 : i32
    %rev3A_28 = vector.broadcast %rev3A_27 : i32 to vector<16xi32>
    %rev3A_29 = tpu.iota {dimensions = array<i32: 0>} : vector<16xi32>
    %rev3A_30 = arith.subi %rev3A_28, %rev3A_29 : vector<16xi32>
    %rev3A_31 = tpu.dynamic_gather %get3A_20[%rev3A_30] in [0] : vector<16xi32>, vector<16xi32> -> vector<16xi32>
    %broadcast_in_dim3A_32 = arith.constant true
    %broadcast_in_dim3A_33 = vector.broadcast %broadcast_in_dim3A_32 : i1 to vector<16xi1>
    %masked_cumsum3A = tpu.scan <sum>, %rev3A_26 masked %broadcast_in_dim3A_33 : vector<16xi32>, vector<16xi1> -> vector<16xi32>
    %broadcast_in_dim3A_34 = arith.constant true
    %broadcast_in_dim3A_35 = vector.broadcast %broadcast_in_dim3A_34 : i1 to vector<16xi1>
    %masked_cumsum3A_36 = tpu.scan <sum>, %rev3A_31 masked %broadcast_in_dim3A_35 : vector<16xi32>, vector<16xi1> -> vector<16xi32>
    %reduce_max3A = arith.constant true
    %reduce_max3A_37 = vector.broadcast %reduce_max3A : i1 to vector<16xi1>
    %reduce_max3A_38 = arith.constant -2147483648 : i32
    %reduce_max3A_39 = vector.broadcast %reduce_max3A_38 : i32 to vector<16xi32>
    %reduce_max3A_40 = arith.xori %masked_cumsum3A, %reduce_max3A_39 : vector<16xi32>
    %reduce_max3A_41 = tpu.scan <max>, %reduce_max3A_40 masked %reduce_max3A_37 : vector<16xi32>, vector<16xi1> -> vector<16xi32>
    %reduce_max3A_42 = arith.xori %reduce_max3A_41, %reduce_max3A_39 : vector<16xi32>
    %reduce_max3A_43 = vector.extract %reduce_max3A_42[15] : i32 from vector<16xi32>
    %sub3A = arith.subi %masked_cumsum3A, %rev3A_26 : vector<16xi32>
    %sub3A_44 = arith.subi %masked_cumsum3A_36, %rev3A_31 : vector<16xi32>
    %add3A_45 = vector.broadcast %reduce_max3A_43 : i32 to vector<16xi32>
    %add3A_46 = arith.addi %sub3A_44, %add3A_45 : vector<16xi32>
    %rev3A_47 = arith.constant 15 : i32
    %rev3A_48 = vector.broadcast %rev3A_47 : i32 to vector<16xi32>
    %rev3A_49 = tpu.iota {dimensions = array<i32: 0>} : vector<16xi32>
    %rev3A_50 = arith.subi %rev3A_48, %rev3A_49 : vector<16xi32>
    %rev3A_51 = tpu.dynamic_gather %add3A_46[%rev3A_50] in [0] : vector<16xi32>, vector<16xi32> -> vector<16xi32>
    %swap3A_52 = arith.constant 0 : index
    %swap3A_53 = tpu.vector_load %arg9[%swap3A_52] {strides = array<i32>} : memref<32xi32, #tpu.memory_space<vmem>>, vector<16xi32>,
    tpu.vector_store %arg9[%swap3A_52], %rev3A_51 {strides = array<i32>} : memref<32xi32, #tpu.memory_space<vmem>>, vector<16xi32>,
    %rev3A_54 = arith.constant 15 : i32
    %rev3A_55 = vector.broadcast %rev3A_54 : i32 to vector<16xi32>
    %rev3A_56 = tpu.iota {dimensions = array<i32: 0>} : vector<16xi32>
    %rev3A_57 = arith.subi %rev3A_55, %rev3A_56 : vector<16xi32>
    %rev3A_58 = tpu.dynamic_gather %sub3A[%rev3A_57] in [0] : vector<16xi32>, vector<16xi32> -> vector<16xi32>
    %swap3A_59 = arith.constant 16 : index
    %swap3A_60 = tpu.vector_load %arg9[%swap3A_59] {strides = array<i32>} : memref<32xi32, #tpu.memory_space<vmem>>, vector<16xi32>,
    tpu.vector_store %arg9[%swap3A_59], %rev3A_58 {strides = array<i32>} : memref<32xi32, #tpu.memory_space<vmem>>, vector<16xi32>,
    %scan3A_61 = arith.constant 0 : i32
    %scan3A_62 = arith.constant 0 : i32
    %scan3A_63 = arith.constant 512 : i32
    %scan3A_64 = arith.addi %scan3A_62, %scan3A_63 : i32
    %scan3A_65 = arith.constant 4 : i32
    scf.for %scan3A_377 = %scan3A_62 to %scan3A_64 step %scan3A_65  : i32 {
      %mul3A_378 = arith.constant 16 : i32
      %mul3A_379 = arith.muli %scan3A_377, %mul3A_378 : i32
      %get3A_380 = arith.index_cast %mul3A_379 : i32 to index
      %get3A_381 = tpu.vector_load %arg5[%get3A_380] {strides = array<i32>} : memref<8192xf32, #tpu.memory_space<vmem>>, vector<16xf32>,
      %mul3A_382 = arith.constant 16 : i32
      %mul3A_383 = arith.muli %scan3A_377, %mul3A_382 : i32
      %add3A_384 = vector.broadcast %mul3A_383 : i32 to vector<16xi32>
      %add3A_385 = arith.addi %add3A_384, %iota3A : vector<16xi32>
      %bitcast3A = vector.bitcast %get3A_381 : vector<16xf32> to vector<16xi32>
      %shift_right_logical3A = arith.constant 0 : i32
      %shift_right_logical3A_386 = vector.broadcast %shift_right_logical3A : i32 to vector<16xi32>
      %shift_right_logical3A_387 = arith.shrui %bitcast3A, %shift_right_logical3A_386 : vector<16xi32>
      %and3A = arith.constant 31 : i32
      %and3A_388 = vector.broadcast %and3A : i32 to vector<16xi32>
      %and3A_389 = arith.andi %shift_right_logical3A_387, %and3A_388 : vector<16xi32>
      %broadcast_in_dim3A_390 = arith.constant true
      %broadcast_in_dim3A_391 = vector.broadcast %broadcast_in_dim3A_390 : i1 to vector<16xi1>
      %unique3A_392, %unique3A_393 = tpu.scan_count mask(%broadcast_in_dim3A_391 : vector<16xi1>) value(%and3A_389 : vector<16xi32>) : vector<16xi1>, vector<16xi32>
      %sub3A_394 = vector.broadcast %reduce_min3A_11 : i32 to vector<16xi32>
      %sub3A_395 = arith.subi %unique3A_393, %sub3A_394 : vector<16xi32>
      %gather3A = tpu.vector_load_idx %arg9[%and3A_389] : memref<32xi32, #tpu.memory_space<vmem>>[vector<16xi32>], vector<16xi32>,
      %add3A_396 = arith.addi %gather3A, %sub3A_395 : vector<16xi32>
      %add3A_397 = arith.constant 1 : i32
      %add3A_398 = vector.broadcast %add3A_397 : i32 to vector<16xi32>
      %add3A_399 = arith.addi %sub3A_395, %add3A_398 : vector<16xi32>
      tpu.vector_store_idx %arg9[%and3A_389], %add3A_399 masked %unique3A_392 {add = true} : memref<32xi32, #tpu.memory_space<vmem>>[vector<16xi32>], vector<16xi32>, vector<16xi1>
      tpu.vector_store_idx %arg6[%add3A_396], %get3A_381 : memref<8192xf32, #tpu.memory_space<vmem>>[vector<16xi32>], vector<16xf32>,
      tpu.vector_store_idx %arg8[%add3A_396], %add3A_385 : memref<8192xi32, #tpu.memory_space<vmem>>[vector<16xi32>], vector<16xi32>,
      %scan3A_400 = arith.constant 1 : i32
      %scan3A_401 = arith.addi %scan3A_377, %scan3A_400 : i32
      %mul3A_402 = arith.constant 16 : i32
      %mul3A_403 = arith.muli %scan3A_401, %mul3A_402 : i32
      %get3A_404 = arith.index_cast %mul3A_403 : i32 to index
      %get3A_405 = tpu.vector_load %arg5[%get3A_404] {strides = array<i32>} : memref<8192xf32, #tpu.memory_space<vmem>>, vector<16xf32>,
      %mul3A_406 = arith.constant 16 : i32
      %mul3A_407 = arith.muli %scan3A_401, %mul3A_406 : i32
      %add3A_408 = vector.broadcast %mul3A_407 : i32 to vector<16xi32>
      %add3A_409 = arith.addi %add3A_408, %iota3A : vector<16xi32>
      %bitcast3A_410 = vector.bitcast %get3A_405 : vector<16xf32> to vector<16xi32>
      %shift_right_logical3A_411 = arith.constant 0 : i32
      %shift_right_logical3A_412 = vector.broadcast %shift_right_logical3A_411 : i32 to vector<16xi32>
      %shift_right_logical3A_413 = arith.shrui %bitcast3A_410, %shift_right_logical3A_412 : vector<16xi32>
      %and3A_414 = arith.constant 31 : i32
      %and3A_415 = vector.broadcast %and3A_414 : i32 to vector<16xi32>
      %and3A_416 = arith.andi %shift_right_logical3A_413, %and3A_415 : vector<16xi32>
      %broadcast_in_dim3A_417 = arith.constant true
      %broadcast_in_dim3A_418 = vector.broadcast %broadcast_in_dim3A_417 : i1 to vector<16xi1>
      %unique3A_419, %unique3A_420 = tpu.scan_count mask(%broadcast_in_dim3A_418 : vector<16xi1>) value(%and3A_416 : vector<16xi32>) : vector<16xi1>, vector<16xi32>
      %sub3A_421 = vector.broadcast %reduce_min3A_11 : i32 to vector<16xi32>
      %sub3A_422 = arith.subi %unique3A_420, %sub3A_421 : vector<16xi32>
      %gather3A_423 = tpu.vector_load_idx %arg9[%and3A_416] : memref<32xi32, #tpu.memory_space<vmem>>[vector<16xi32>], vector<16xi32>,
      %add3A_424 = arith.addi %gather3A_423, %sub3A_422 : vector<16xi32>
      %add3A_425 = arith.constant 1 : i32
      %add3A_426 = vector.broadcast %add3A_425 : i32 to vector<16xi32>
      %add3A_427 = arith.addi %sub3A_422, %add3A_426 : vector<16xi32>
      tpu.vector_store_idx %arg9[%and3A_416], %add3A_427 masked %unique3A_419 {add = true} : memref<32xi32, #tpu.memory_space<vmem>>[vector<16xi32>], vector<16xi32>, vector<16xi1>
      tpu.vector_store_idx %arg6[%add3A_424], %get3A_405 : memref<8192xf32, #tpu.memory_space<vmem>>[vector<16xi32>], vector<16xf32>,
      tpu.vector_store_idx %arg8[%add3A_424], %add3A_409 : memref<8192xi32, #tpu.memory_space<vmem>>[vector<16xi32>], vector<16xi32>,
      %scan3A_428 = arith.constant 2 : i32
      %scan3A_429 = arith.addi %scan3A_377, %scan3A_428 : i32
      %mul3A_430 = arith.constant 16 : i32
      %mul3A_431 = arith.muli %scan3A_429, %mul3A_430 : i32
      %get3A_432 = arith.index_cast %mul3A_431 : i32 to index
      %get3A_433 = tpu.vector_load %arg5[%get3A_432] {strides = array<i32>} : memref<8192xf32, #tpu.memory_space<vmem>>, vector<16xf32>,
      %mul3A_434 = arith.constant 16 : i32
      %mul3A_435 = arith.muli %scan3A_429, %mul3A_434 : i32
      %add3A_436 = vector.broadcast %mul3A_435 : i32 to vector<16xi32>
      %add3A_437 = arith.addi %add3A_436, %iota3A : vector<16xi32>
      %bitcast3A_438 = vector.bitcast %get3A_433 : vector<16xf32> to vector<16xi32>
      %shift_right_logical3A_439 = arith.constant 0 : i32
      %shift_right_logical3A_440 = vector.broadcast %shift_right_logical3A_439 : i32 to vector<16xi32>
      %shift_right_logical3A_441 = arith.shrui %bitcast3A_438, %shift_right_logical3A_440 : vector<16xi32>
      %and3A_442 = arith.constant 31 : i32
      %and3A_443 = vector.broadcast %and3A_442 : i32 to vector<16xi32>
      %and3A_444 = arith.andi %shift_right_logical3A_441, %and3A_443 : vector<16xi32>
      %broadcast_in_dim3A_445 = arith.constant true
      %broadcast_in_dim3A_446 = vector.broadcast %broadcast_in_dim3A_445 : i1 to vector<16xi1>
      %unique3A_447, %unique3A_448 = tpu.scan_count mask(%broadcast_in_dim3A_446 : vector<16xi1>) value(%and3A_444 : vector<16xi32>) : vector<16xi1>, vector<16xi32>
      %sub3A_449 = vector.broadcast %reduce_min3A_11 : i32 to vector<16xi32>
      %sub3A_450 = arith.subi %unique3A_448, %sub3A_449 : vector<16xi32>
      %gather3A_451 = tpu.vector_load_idx %arg9[%and3A_444] : memref<32xi32, #tpu.memory_space<vmem>>[vector<16xi32>], vector<16xi32>,
      %add3A_452 = arith.addi %gather3A_451, %sub3A_450 : vector<16xi32>
      %add3A_453 = arith.constant 1 : i32
      %add3A_454 = vector.broadcast %add3A_453 : i32 to vector<16xi32>
      %add3A_455 = arith.addi %sub3A_450, %add3A_454 : vector<16xi32>
      tpu.vector_store_idx %arg9[%and3A_444], %add3A_455 masked %unique3A_447 {add = true} : memref<32xi32, #tpu.memory_space<vmem>>[vector<16xi32>], vector<16xi32>, vector<16xi1>
      tpu.vector_store_idx %arg6[%add3A_452], %get3A_433 : memref<8192xf32, #tpu.memory_space<vmem>>[vector<16xi32>], vector<16xf32>,
      tpu.vector_store_idx %arg8[%add3A_452], %add3A_437 : memref<8192xi32, #tpu.memory_space<vmem>>[vector<16xi32>], vector<16xi32>,
      %scan3A_456 = arith.constant 3 : i32
      %scan3A_457 = arith.addi %scan3A_377, %scan3A_456 : i32
      %mul3A_458 = arith.constant 16 : i32
      %mul3A_459 = arith.muli %scan3A_457, %mul3A_458 : i32
      %get3A_460 = arith.index_cast %mul3A_459 : i32 to index
      %get3A_461 = tpu.vector_load %arg5[%get3A_460] {strides = array<i32>} : memref<8192xf32, #tpu.memory_space<vmem>>, vector<16xf32>,
      %mul3A_462 = arith.constant 16 : i32
      %mul3A_463 = arith.muli %scan3A_457, %mul3A_462 : i32
      %add3A_464 = vector.broadcast %mul3A_463 : i32 to vector<16xi32>
      %add3A_465 = arith.addi %add3A_464, %iota3A : vector<16xi32>
      %bitcast3A_466 = vector.bitcast %get3A_461 : vector<16xf32> to vector<16xi32>
      %shift_right_logical3A_467 = arith.constant 0 : i32
      %shift_right_logical3A_468 = vector.broadcast %shift_right_logical3A_467 : i32 to vector<16xi32>
      %shift_right_logical3A_469 = arith.shrui %bitcast3A_466, %shift_right_logical3A_468 : vector<16xi32>
      %and3A_470 = arith.constant 31 : i32
      %and3A_471 = vector.broadcast %and3A_470 : i32 to vector<16xi32>
      %and3A_472 = arith.andi %shift_right_logical3A_469, %and3A_471 : vector<16xi32>
      %broadcast_in_dim3A_473 = arith.constant true
      %broadcast_in_dim3A_474 = vector.broadcast %broadcast_in_dim3A_473 : i1 to vector<16xi1>
      %unique3A_475, %unique3A_476 = tpu.scan_count mask(%broadcast_in_dim3A_474 : vector<16xi1>) value(%and3A_472 : vector<16xi32>) : vector<16xi1>, vector<16xi32>
      %sub3A_477 = vector.broadcast %reduce_min3A_11 : i32 to vector<16xi32>
      %sub3A_478 = arith.subi %unique3A_476, %sub3A_477 : vector<16xi32>
      %gather3A_479 = tpu.vector_load_idx %arg9[%and3A_472] : memref<32xi32, #tpu.memory_space<vmem>>[vector<16xi32>], vector<16xi32>,
      %add3A_480 = arith.addi %gather3A_479, %sub3A_478 : vector<16xi32>
      %add3A_481 = arith.constant 1 : i32
      %add3A_482 = vector.broadcast %add3A_481 : i32 to vector<16xi32>
      %add3A_483 = arith.addi %sub3A_478, %add3A_482 : vector<16xi32>
      tpu.vector_store_idx %arg9[%and3A_472], %add3A_483 masked %unique3A_475 {add = true} : memref<32xi32, #tpu.memory_space<vmem>>[vector<16xi32>], vector<16xi32>, vector<16xi1>
      tpu.vector_store_idx %arg6[%add3A_480], %get3A_461 : memref<8192xf32, #tpu.memory_space<vmem>>[vector<16xi32>], vector<16xf32>,
      tpu.vector_store_idx %arg8[%add3A_480], %add3A_465 : memref<8192xi32, #tpu.memory_space<vmem>>[vector<16xi32>], vector<16xi32>,
    }
    %scan3A_66 = arith.constant 512 : i32
    %swap3A_67 = arith.constant 0 : index
    %swap3A_68 = tpu.vector_load %arg9[%swap3A_67] {strides = array<i32>} : memref<32xi32, #tpu.memory_space<vmem>>, vector<16xi32>,
    tpu.vector_store %arg9[%swap3A_67], %broadcast_in_dim3A_1 {strides = array<i32>} : memref<32xi32, #tpu.memory_space<vmem>>, vector<16xi32>,
    %swap3A_69 = arith.constant 16 : index
    %swap3A_70 = tpu.vector_load %arg9[%swap3A_69] {strides = array<i32>} : memref<32xi32, #tpu.memory_space<vmem>>, vector<16xi32>,
    tpu.vector_store %arg9[%swap3A_69], %broadcast_in_dim3A_1 {strides = array<i32>} : memref<32xi32, #tpu.memory_space<vmem>>, vector<16xi32>,
    %scan3A_71 = arith.constant 0 : i32
    %scan3A_72 = arith.constant 0 : i32
    %scan3A_73 = arith.constant 512 : i32
    %scan3A_74 = arith.addi %scan3A_72, %scan3A_73 : i32
    %scan3A_75 = arith.constant 4 : i32
    scf.for %scan3A_377 = %scan3A_72 to %scan3A_74 step %scan3A_75  : i32 {
      %mul3A_378 = arith.constant 16 : i32
      %mul3A_379 = arith.muli %scan3A_377, %mul3A_378 : i32
      %get3A_380 = arith.index_cast %mul3A_379 : i32 to index
      %get3A_381 = tpu.vector_load %arg6[%get3A_380] {strides = array<i32>} : memref<8192xf32, #tpu.memory_space<vmem>>, vector<16xf32>,
      %bitcast3A = vector.bitcast %get3A_381 : vector<16xf32> to vector<16xi32>
      %shift_right_logical3A = arith.constant 5 : i32
      %shift_right_logical3A_382 = vector.broadcast %shift_right_logical3A : i32 to vector<16xi32>
      %shift_right_logical3A_383 = arith.shrui %bitcast3A, %shift_right_logical3A_382 : vector<16xi32>
      %and3A = arith.constant 31 : i32
      %and3A_384 = vector.broadcast %and3A : i32 to vector<16xi32>
      %and3A_385 = arith.andi %shift_right_logical3A_383, %and3A_384 : vector<16xi32>
      %broadcast_in_dim3A_386 = arith.constant true
      %broadcast_in_dim3A_387 = vector.broadcast %broadcast_in_dim3A_386 : i1 to vector<16xi1>
      %unique3A_388, %unique3A_389 = tpu.scan_count mask(%broadcast_in_dim3A_387 : vector<16xi1>) value(%and3A_385 : vector<16xi32>) : vector<16xi1>, vector<16xi32>
      %sub3A_390 = vector.broadcast %reduce_min3A_11 : i32 to vector<16xi32>
      %sub3A_391 = arith.subi %unique3A_389, %sub3A_390 : vector<16xi32>
      %add3A_392 = arith.constant 1 : i32
      %add3A_393 = vector.broadcast %add3A_392 : i32 to vector<16xi32>
      %add3A_394 = arith.addi %sub3A_391, %add3A_393 : vector<16xi32>
      tpu.vector_store_idx %arg9[%and3A_385], %add3A_394 masked %unique3A_388 {add = true} : memref<32xi32, #tpu.memory_space<vmem>>[vector<16xi32>], vector<16xi32>, vector<16xi1>
      %scan3A_395 = arith.constant 1 : i32
      %scan3A_396 = arith.addi %scan3A_377, %scan3A_395 : i32
      %mul3A_397 = arith.constant 16 : i32
      %mul3A_398 = arith.muli %scan3A_396, %mul3A_397 : i32
      %get3A_399 = arith.index_cast %mul3A_398 : i32 to index
      %get3A_400 = tpu.vector_load %arg6[%get3A_399] {strides = array<i32>} : memref<8192xf32, #tpu.memory_space<vmem>>, vector<16xf32>,
      %bitcast3A_401 = vector.bitcast %get3A_400 : vector<16xf32> to vector<16xi32>
      %shift_right_logical3A_402 = arith.constant 5 : i32
      %shift_right_logical3A_403 = vector.broadcast %shift_right_logical3A_402 : i32 to vector<16xi32>
      %shift_right_logical3A_404 = arith.shrui %bitcast3A_401, %shift_right_logical3A_403 : vector<16xi32>
      %and3A_405 = arith.constant 31 : i32
      %and3A_406 = vector.broadcast %and3A_405 : i32 to vector<16xi32>
      %and3A_407 = arith.andi %shift_right_logical3A_404, %and3A_406 : vector<16xi32>
      %broadcast_in_dim3A_408 = arith.constant true
      %broadcast_in_dim3A_409 = vector.broadcast %broadcast_in_dim3A_408 : i1 to vector<16xi1>
      %unique3A_410, %unique3A_411 = tpu.scan_count mask(%broadcast_in_dim3A_409 : vector<16xi1>) value(%and3A_407 : vector<16xi32>) : vector<16xi1>, vector<16xi32>
      %sub3A_412 = vector.broadcast %reduce_min3A_11 : i32 to vector<16xi32>
      %sub3A_413 = arith.subi %unique3A_411, %sub3A_412 : vector<16xi32>
      %add3A_414 = arith.constant 1 : i32
      %add3A_415 = vector.broadcast %add3A_414 : i32 to vector<16xi32>
      %add3A_416 = arith.addi %sub3A_413, %add3A_415 : vector<16xi32>
      tpu.vector_store_idx %arg9[%and3A_407], %add3A_416 masked %unique3A_410 {add = true} : memref<32xi32, #tpu.memory_space<vmem>>[vector<16xi32>], vector<16xi32>, vector<16xi1>
      %scan3A_417 = arith.constant 2 : i32
      %scan3A_418 = arith.addi %scan3A_377, %scan3A_417 : i32
      %mul3A_419 = arith.constant 16 : i32
      %mul3A_420 = arith.muli %scan3A_418, %mul3A_419 : i32
      %get3A_421 = arith.index_cast %mul3A_420 : i32 to index
      %get3A_422 = tpu.vector_load %arg6[%get3A_421] {strides = array<i32>} : memref<8192xf32, #tpu.memory_space<vmem>>, vector<16xf32>,
      %bitcast3A_423 = vector.bitcast %get3A_422 : vector<16xf32> to vector<16xi32>
      %shift_right_logical3A_424 = arith.constant 5 : i32
      %shift_right_logical3A_425 = vector.broadcast %shift_right_logical3A_424 : i32 to vector<16xi32>
      %shift_right_logical3A_426 = arith.shrui %bitcast3A_423, %shift_right_logical3A_425 : vector<16xi32>
      %and3A_427 = arith.constant 31 : i32
      %and3A_428 = vector.broadcast %and3A_427 : i32 to vector<16xi32>
      %and3A_429 = arith.andi %shift_right_logical3A_426, %and3A_428 : vector<16xi32>
      %broadcast_in_dim3A_430 = arith.constant true
      %broadcast_in_dim3A_431 = vector.broadcast %broadcast_in_dim3A_430 : i1 to vector<16xi1>
      %unique3A_432, %unique3A_433 = tpu.scan_count mask(%broadcast_in_dim3A_431 : vector<16xi1>) value(%and3A_429 : vector<16xi32>) : vector<16xi1>, vector<16xi32>
      %sub3A_434 = vector.broadcast %reduce_min3A_11 : i32 to vector<16xi32>
      %sub3A_435 = arith.subi %unique3A_433, %sub3A_434 : vector<16xi32>
      %add3A_436 = arith.constant 1 : i32
      %add3A_437 = vector.broadcast %add3A_436 : i32 to vector<16xi32>
      %add3A_438 = arith.addi %sub3A_435, %add3A_437 : vector<16xi32>
      tpu.vector_store_idx %arg9[%and3A_429], %add3A_438 masked %unique3A_432 {add = true} : memref<32xi32, #tpu.memory_space<vmem>>[vector<16xi32>], vector<16xi32>, vector<16xi1>
      %scan3A_439 = arith.constant 3 : i32
      %scan3A_440 = arith.addi %scan3A_377, %scan3A_439 : i32
      %mul3A_441 = arith.constant 16 : i32
      %mul3A_442 = arith.muli %scan3A_440, %mul3A_441 : i32
      %get3A_443 = arith.index_cast %mul3A_442 : i32 to index
      %get3A_444 = tpu.vector_load %arg6[%get3A_443] {strides = array<i32>} : memref<8192xf32, #tpu.memory_space<vmem>>, vector<16xf32>,
      %bitcast3A_445 = vector.bitcast %get3A_444 : vector<16xf32> to vector<16xi32>
      %shift_right_logical3A_446 = arith.constant 5 : i32
      %shift_right_logical3A_447 = vector.broadcast %shift_right_logical3A_446 : i32 to vector<16xi32>
      %shift_right_logical3A_448 = arith.shrui %bitcast3A_445, %shift_right_logical3A_447 : vector<16xi32>
      %and3A_449 = arith.constant 31 : i32
      %and3A_450 = vector.broadcast %and3A_449 : i32 to vector<16xi32>
      %and3A_451 = arith.andi %shift_right_logical3A_448, %and3A_450 : vector<16xi32>
      %broadcast_in_dim3A_452 = arith.constant true
      %broadcast_in_dim3A_453 = vector.broadcast %broadcast_in_dim3A_452 : i1 to vector<16xi1>
      %unique3A_454, %unique3A_455 = tpu.scan_count mask(%broadcast_in_dim3A_453 : vector<16xi1>) value(%and3A_451 : vector<16xi32>) : vector<16xi1>, vector<16xi32>
      %sub3A_456 = vector.broadcast %reduce_min3A_11 : i32 to vector<16xi32>
      %sub3A_457 = arith.subi %unique3A_455, %sub3A_456 : vector<16xi32>
      %add3A_458 = arith.constant 1 : i32
      %add3A_459 = vector.broadcast %add3A_458 : i32 to vector<16xi32>
      %add3A_460 = arith.addi %sub3A_457, %add3A_459 : vector<16xi32>
      tpu.vector_store_idx %arg9[%and3A_451], %add3A_460 masked %unique3A_454 {add = true} : memref<32xi32, #tpu.memory_space<vmem>>[vector<16xi32>], vector<16xi32>, vector<16xi1>
    }
    %scan3A_76 = arith.constant 512 : i32
    %get3A_77 = arith.constant 0 : index
    %get3A_78 = tpu.vector_load %arg9[%get3A_77] {strides = array<i32>} : memref<32xi32, #tpu.memory_space<vmem>>, vector<16xi32>,
    %get3A_79 = arith.constant 16 : index
    %get3A_80 = tpu.vector_load %arg9[%get3A_79] {strides = array<i32>} : memref<32xi32, #tpu.memory_space<vmem>>, vector<16xi32>,
    %rev3A_81 = arith.constant 15 : i32
    %rev3A_82 = vector.broadcast %rev3A_81 : i32 to vector<16xi32>
    %rev3A_83 = tpu.iota {dimensions = array<i32: 0>} : vector<16xi32>
    %rev3A_84 = arith.subi %rev3A_82, %rev3A_83 : vector<16xi32>
    %rev3A_85 = tpu.dynamic_gather %get3A_80[%rev3A_84] in [0] : vector<16xi32>, vector<16xi32> -> vector<16xi32>
    %rev3A_86 = arith.constant 15 : i32
    %rev3A_87 = vector.broadcast %rev3A_86 : i32 to vector<16xi32>
    %rev3A_88 = tpu.iota {dimensions = array<i32: 0>} : vector<16xi32>
    %rev3A_89 = arith.subi %rev3A_87, %rev3A_88 : vector<16xi32>
    %rev3A_90 = tpu.dynamic_gather %get3A_78[%rev3A_89] in [0] : vector<16xi32>, vector<16xi32> -> vector<16xi32>
    %broadcast_in_dim3A_91 = arith.constant true
    %broadcast_in_dim3A_92 = vector.broadcast %broadcast_in_dim3A_91 : i1 to vector<16xi1>
    %masked_cumsum3A_93 = tpu.scan <sum>, %rev3A_85 masked %broadcast_in_dim3A_92 : vector<16xi32>, vector<16xi1> -> vector<16xi32>
    %broadcast_in_dim3A_94 = arith.constant true
    %broadcast_in_dim3A_95 = vector.broadcast %broadcast_in_dim3A_94 : i1 to vector<16xi1>
    %masked_cumsum3A_96 = tpu.scan <sum>, %rev3A_90 masked %broadcast_in_dim3A_95 : vector<16xi32>, vector<16xi1> -> vector<16xi32>
    %reduce_max3A_97 = arith.constant true
    %reduce_max3A_98 = vector.broadcast %reduce_max3A_97 : i1 to vector<16xi1>
    %reduce_max3A_99 = arith.constant -2147483648 : i32
    %reduce_max3A_100 = vector.broadcast %reduce_max3A_99 : i32 to vector<16xi32>
    %reduce_max3A_101 = arith.xori %masked_cumsum3A_93, %reduce_max3A_100 : vector<16xi32>
    %reduce_max3A_102 = tpu.scan <max>, %reduce_max3A_101 masked %reduce_max3A_98 : vector<16xi32>, vector<16xi1> -> vector<16xi32>
    %reduce_max3A_103 = arith.xori %reduce_max3A_102, %reduce_max3A_100 : vector<16xi32>
    %reduce_max3A_104 = vector.extract %reduce_max3A_103[15] : i32 from vector<16xi32>
    %sub3A_105 = arith.subi %masked_cumsum3A_93, %rev3A_85 : vector<16xi32>
    %sub3A_106 = arith.subi %masked_cumsum3A_96, %rev3A_90 : vector<16xi32>
    %add3A_107 = vector.broadcast %reduce_max3A_104 : i32 to vector<16xi32>
    %add3A_108 = arith.addi %sub3A_106, %add3A_107 : vector<16xi32>
    %rev3A_109 = arith.constant 15 : i32
    %rev3A_110 = vector.broadcast %rev3A_109 : i32 to vector<16xi32>
    %rev3A_111 = tpu.iota {dimensions = array<i32: 0>} : vector<16xi32>
    %rev3A_112 = arith.subi %rev3A_110, %rev3A_111 : vector<16xi32>
    %rev3A_113 = tpu.dynamic_gather %add3A_108[%rev3A_112] in [0] : vector<16xi32>, vector<16xi32> -> vector<16xi32>
    %swap3A_114 = arith.constant 0 : index
    %swap3A_115 = tpu.vector_load %arg9[%swap3A_114] {strides = array<i32>} : memref<32xi32, #tpu.memory_space<vmem>>, vector<16xi32>,
    tpu.vector_store %arg9[%swap3A_114], %rev3A_113 {strides = array<i32>} : memref<32xi32, #tpu.memory_space<vmem>>, vector<16xi32>,
    %rev3A_116 = arith.constant 15 : i32
    %rev3A_117 = vector.broadcast %rev3A_116 : i32 to vector<16xi32>
    %rev3A_118 = tpu.iota {dimensions = array<i32: 0>} : vector<16xi32>
    %rev3A_119 = arith.subi %rev3A_117, %rev3A_118 : vector<16xi32>
    %rev3A_120 = tpu.dynamic_gather %sub3A_105[%rev3A_119] in [0] : vector<16xi32>, vector<16xi32> -> vector<16xi32>
    %swap3A_121 = arith.constant 16 : index
    %swap3A_122 = tpu.vector_load %arg9[%swap3A_121] {strides = array<i32>} : memref<32xi32, #tpu.memory_space<vmem>>, vector<16xi32>,
    tpu.vector_store %arg9[%swap3A_121], %rev3A_120 {strides = array<i32>} : memref<32xi32, #tpu.memory_space<vmem>>, vector<16xi32>,
    %scan3A_123 = arith.constant 0 : i32
    %scan3A_124 = arith.constant 0 : i32
    %scan3A_125 = arith.constant 512 : i32
    %scan3A_126 = arith.addi %scan3A_124, %scan3A_125 : i32
    %scan3A_127 = arith.constant 4 : i32
    scf.for %scan3A_377 = %scan3A_124 to %scan3A_126 step %scan3A_127  : i32 {
      %mul3A_378 = arith.constant 16 : i32
      %mul3A_379 = arith.muli %scan3A_377, %mul3A_378 : i32
      %get3A_380 = arith.index_cast %mul3A_379 : i32 to index
      %get3A_381 = tpu.vector_load %arg6[%get3A_380] {strides = array<i32>} : memref<8192xf32, #tpu.memory_space<vmem>>, vector<16xf32>,
      %mul3A_382 = arith.constant 16 : i32
      %mul3A_383 = arith.muli %scan3A_377, %mul3A_382 : i32
      %get3A_384 = arith.index_cast %mul3A_383 : i32 to index
      %get3A_385 = tpu.vector_load %arg8[%get3A_384] {strides = array<i32>} : memref<8192xi32, #tpu.memory_space<vmem>>, vector<16xi32>,
      %bitcast3A = vector.bitcast %get3A_381 : vector<16xf32> to vector<16xi32>
      %shift_right_logical3A = arith.constant 5 : i32
      %shift_right_logical3A_386 = vector.broadcast %shift_right_logical3A : i32 to vector<16xi32>
      %shift_right_logical3A_387 = arith.shrui %bitcast3A, %shift_right_logical3A_386 : vector<16xi32>
      %and3A = arith.constant 31 : i32
      %and3A_388 = vector.broadcast %and3A : i32 to vector<16xi32>
      %and3A_389 = arith.andi %shift_right_logical3A_387, %and3A_388 : vector<16xi32>
      %broadcast_in_dim3A_390 = arith.constant true
      %broadcast_in_dim3A_391 = vector.broadcast %broadcast_in_dim3A_390 : i1 to vector<16xi1>
      %unique3A_392, %unique3A_393 = tpu.scan_count mask(%broadcast_in_dim3A_391 : vector<16xi1>) value(%and3A_389 : vector<16xi32>) : vector<16xi1>, vector<16xi32>
      %sub3A_394 = vector.broadcast %reduce_min3A_11 : i32 to vector<16xi32>
      %sub3A_395 = arith.subi %unique3A_393, %sub3A_394 : vector<16xi32>
      %gather3A = tpu.vector_load_idx %arg9[%and3A_389] : memref<32xi32, #tpu.memory_space<vmem>>[vector<16xi32>], vector<16xi32>,
      %add3A_396 = arith.addi %gather3A, %sub3A_395 : vector<16xi32>
      %add3A_397 = arith.constant 1 : i32
      %add3A_398 = vector.broadcast %add3A_397 : i32 to vector<16xi32>
      %add3A_399 = arith.addi %sub3A_395, %add3A_398 : vector<16xi32>
      tpu.vector_store_idx %arg9[%and3A_389], %add3A_399 masked %unique3A_392 {add = true} : memref<32xi32, #tpu.memory_space<vmem>>[vector<16xi32>], vector<16xi32>, vector<16xi1>
      tpu.vector_store_idx %arg5[%add3A_396], %get3A_381 : memref<8192xf32, #tpu.memory_space<vmem>>[vector<16xi32>], vector<16xf32>,
      tpu.vector_store_idx %arg7[%add3A_396], %get3A_385 : memref<8192xi32, #tpu.memory_space<vmem>>[vector<16xi32>], vector<16xi32>,
      %scan3A_400 = arith.constant 1 : i32
      %scan3A_401 = arith.addi %scan3A_377, %scan3A_400 : i32
      %mul3A_402 = arith.constant 16 : i32
      %mul3A_403 = arith.muli %scan3A_401, %mul3A_402 : i32
      %get3A_404 = arith.index_cast %mul3A_403 : i32 to index
      %get3A_405 = tpu.vector_load %arg6[%get3A_404] {strides = array<i32>} : memref<8192xf32, #tpu.memory_space<vmem>>, vector<16xf32>,
      %mul3A_406 = arith.constant 16 : i32
      %mul3A_407 = arith.muli %scan3A_401, %mul3A_406 : i32
      %get3A_408 = arith.index_cast %mul3A_407 : i32 to index
      %get3A_409 = tpu.vector_load %arg8[%get3A_408] {strides = array<i32>} : memref<8192xi32, #tpu.memory_space<vmem>>, vector<16xi32>,
      %bitcast3A_410 = vector.bitcast %get3A_405 : vector<16xf32> to vector<16xi32>
      %shift_right_logical3A_411 = arith.constant 5 : i32
      %shift_right_logical3A_412 = vector.broadcast %shift_right_logical3A_411 : i32 to vector<16xi32>
      %shift_right_logical3A_413 = arith.shrui %bitcast3A_410, %shift_right_logical3A_412 : vector<16xi32>
      %and3A_414 = arith.constant 31 : i32
      %and3A_415 = vector.broadcast %and3A_414 : i32 to vector<16xi32>
      %and3A_416 = arith.andi %shift_right_logical3A_413, %and3A_415 : vector<16xi32>
      %broadcast_in_dim3A_417 = arith.constant true
      %broadcast_in_dim3A_418 = vector.broadcast %broadcast_in_dim3A_417 : i1 to vector<16xi1>
      %unique3A_419, %unique3A_420 = tpu.scan_count mask(%broadcast_in_dim3A_418 : vector<16xi1>) value(%and3A_416 : vector<16xi32>) : vector<16xi1>, vector<16xi32>
      %sub3A_421 = vector.broadcast %reduce_min3A_11 : i32 to vector<16xi32>
      %sub3A_422 = arith.subi %unique3A_420, %sub3A_421 : vector<16xi32>
      %gather3A_423 = tpu.vector_load_idx %arg9[%and3A_416] : memref<32xi32, #tpu.memory_space<vmem>>[vector<16xi32>], vector<16xi32>,
      %add3A_424 = arith.addi %gather3A_423, %sub3A_422 : vector<16xi32>
      %add3A_425 = arith.constant 1 : i32
      %add3A_426 = vector.broadcast %add3A_425 : i32 to vector<16xi32>
      %add3A_427 = arith.addi %sub3A_422, %add3A_426 : vector<16xi32>
      tpu.vector_store_idx %arg9[%and3A_416], %add3A_427 masked %unique3A_419 {add = true} : memref<32xi32, #tpu.memory_space<vmem>>[vector<16xi32>], vector<16xi32>, vector<16xi1>
      tpu.vector_store_idx %arg5[%add3A_424], %get3A_405 : memref<8192xf32, #tpu.memory_space<vmem>>[vector<16xi32>], vector<16xf32>,
      tpu.vector_store_idx %arg7[%add3A_424], %get3A_409 : memref<8192xi32, #tpu.memory_space<vmem>>[vector<16xi32>], vector<16xi32>,
      %scan3A_428 = arith.constant 2 : i32
      %scan3A_429 = arith.addi %scan3A_377, %scan3A_428 : i32
      %mul3A_430 = arith.constant 16 : i32
      %mul3A_431 = arith.muli %scan3A_429, %mul3A_430 : i32
      %get3A_432 = arith.index_cast %mul3A_431 : i32 to index
      %get3A_433 = tpu.vector_load %arg6[%get3A_432] {strides = array<i32>} : memref<8192xf32, #tpu.memory_space<vmem>>, vector<16xf32>,
      %mul3A_434 = arith.constant 16 : i32
      %mul3A_435 = arith.muli %scan3A_429, %mul3A_434 : i32
      %get3A_436 = arith.index_cast %mul3A_435 : i32 to index
      %get3A_437 = tpu.vector_load %arg8[%get3A_436] {strides = array<i32>} : memref<8192xi32, #tpu.memory_space<vmem>>, vector<16xi32>,
      %bitcast3A_438 = vector.bitcast %get3A_433 : vector<16xf32> to vector<16xi32>
      %shift_right_logical3A_439 = arith.constant 5 : i32
      %shift_right_logical3A_440 = vector.broadcast %shift_right_logical3A_439 : i32 to vector<16xi32>
      %shift_right_logical3A_441 = arith.shrui %bitcast3A_438, %shift_right_logical3A_440 : vector<16xi32>
      %and3A_442 = arith.constant 31 : i32
      %and3A_443 = vector.broadcast %and3A_442 : i32 to vector<16xi32>
      %and3A_444 = arith.andi %shift_right_logical3A_441, %and3A_443 : vector<16xi32>
      %broadcast_in_dim3A_445 = arith.constant true
      %broadcast_in_dim3A_446 = vector.broadcast %broadcast_in_dim3A_445 : i1 to vector<16xi1>
      %unique3A_447, %unique3A_448 = tpu.scan_count mask(%broadcast_in_dim3A_446 : vector<16xi1>) value(%and3A_444 : vector<16xi32>) : vector<16xi1>, vector<16xi32>
      %sub3A_449 = vector.broadcast %reduce_min3A_11 : i32 to vector<16xi32>
      %sub3A_450 = arith.subi %unique3A_448, %sub3A_449 : vector<16xi32>
      %gather3A_451 = tpu.vector_load_idx %arg9[%and3A_444] : memref<32xi32, #tpu.memory_space<vmem>>[vector<16xi32>], vector<16xi32>,
      %add3A_452 = arith.addi %gather3A_451, %sub3A_450 : vector<16xi32>
      %add3A_453 = arith.constant 1 : i32
      %add3A_454 = vector.broadcast %add3A_453 : i32 to vector<16xi32>
      %add3A_455 = arith.addi %sub3A_450, %add3A_454 : vector<16xi32>
      tpu.vector_store_idx %arg9[%and3A_444], %add3A_455 masked %unique3A_447 {add = true} : memref<32xi32, #tpu.memory_space<vmem>>[vector<16xi32>], vector<16xi32>, vector<16xi1>
      tpu.vector_store_idx %arg5[%add3A_452], %get3A_433 : memref<8192xf32, #tpu.memory_space<vmem>>[vector<16xi32>], vector<16xf32>,
      tpu.vector_store_idx %arg7[%add3A_452], %get3A_437 : memref<8192xi32, #tpu.memory_space<vmem>>[vector<16xi32>], vector<16xi32>,
      %scan3A_456 = arith.constant 3 : i32
      %scan3A_457 = arith.addi %scan3A_377, %scan3A_456 : i32
      %mul3A_458 = arith.constant 16 : i32
      %mul3A_459 = arith.muli %scan3A_457, %mul3A_458 : i32
      %get3A_460 = arith.index_cast %mul3A_459 : i32 to index
      %get3A_461 = tpu.vector_load %arg6[%get3A_460] {strides = array<i32>} : memref<8192xf32, #tpu.memory_space<vmem>>, vector<16xf32>,
      %mul3A_462 = arith.constant 16 : i32
      %mul3A_463 = arith.muli %scan3A_457, %mul3A_462 : i32
      %get3A_464 = arith.index_cast %mul3A_463 : i32 to index
      %get3A_465 = tpu.vector_load %arg8[%get3A_464] {strides = array<i32>} : memref<8192xi32, #tpu.memory_space<vmem>>, vector<16xi32>,
      %bitcast3A_466 = vector.bitcast %get3A_461 : vector<16xf32> to vector<16xi32>
      %shift_right_logical3A_467 = arith.constant 5 : i32
      %shift_right_logical3A_468 = vector.broadcast %shift_right_logical3A_467 : i32 to vector<16xi32>
      %shift_right_logical3A_469 = arith.shrui %bitcast3A_466, %shift_right_logical3A_468 : vector<16xi32>
      %and3A_470 = arith.constant 31 : i32
      %and3A_471 = vector.broadcast %and3A_470 : i32 to vector<16xi32>
      %and3A_472 = arith.andi %shift_right_logical3A_469, %and3A_471 : vector<16xi32>
      %broadcast_in_dim3A_473 = arith.constant true
      %broadcast_in_dim3A_474 = vector.broadcast %broadcast_in_dim3A_473 : i1 to vector<16xi1>
      %unique3A_475, %unique3A_476 = tpu.scan_count mask(%broadcast_in_dim3A_474 : vector<16xi1>) value(%and3A_472 : vector<16xi32>) : vector<16xi1>, vector<16xi32>
      %sub3A_477 = vector.broadcast %reduce_min3A_11 : i32 to vector<16xi32>
      %sub3A_478 = arith.subi %unique3A_476, %sub3A_477 : vector<16xi32>
      %gather3A_479 = tpu.vector_load_idx %arg9[%and3A_472] : memref<32xi32, #tpu.memory_space<vmem>>[vector<16xi32>], vector<16xi32>,
      %add3A_480 = arith.addi %gather3A_479, %sub3A_478 : vector<16xi32>
      %add3A_481 = arith.constant 1 : i32
      %add3A_482 = vector.broadcast %add3A_481 : i32 to vector<16xi32>
      %add3A_483 = arith.addi %sub3A_478, %add3A_482 : vector<16xi32>
      tpu.vector_store_idx %arg9[%and3A_472], %add3A_483 masked %unique3A_475 {add = true} : memref<32xi32, #tpu.memory_space<vmem>>[vector<16xi32>], vector<16xi32>, vector<16xi1>
      tpu.vector_store_idx %arg5[%add3A_480], %get3A_461 : memref<8192xf32, #tpu.memory_space<vmem>>[vector<16xi32>], vector<16xf32>,
      tpu.vector_store_idx %arg7[%add3A_480], %get3A_465 : memref<8192xi32, #tpu.memory_space<vmem>>[vector<16xi32>], vector<16xi32>,
    }
    %scan3A_128 = arith.constant 512 : i32
    %swap3A_129 = arith.constant 0 : index
    %swap3A_130 = tpu.vector_load %arg9[%swap3A_129] {strides = array<i32>} : memref<32xi32, #tpu.memory_space<vmem>>, vector<16xi32>,
    tpu.vector_store %arg9[%swap3A_129], %broadcast_in_dim3A_1 {strides = array<i32>} : memref<32xi32, #tpu.memory_space<vmem>>, vector<16xi32>,
    %swap3A_131 = arith.constant 16 : index
    %swap3A_132 = tpu.vector_load %arg9[%swap3A_131] {strides = array<i32>} : memref<32xi32, #tpu.memory_space<vmem>>, vector<16xi32>,
    tpu.vector_store %arg9[%swap3A_131], %broadcast_in_dim3A_1 {strides = array<i32>} : memref<32xi32, #tpu.memory_space<vmem>>, vector<16xi32>,
    %scan3A_133 = arith.constant 0 : i32
    %scan3A_134 = arith.constant 0 : i32
    %scan3A_135 = arith.constant 512 : i32
    %scan3A_136 = arith.addi %scan3A_134, %scan3A_135 : i32
    %scan3A_137 = arith.constant 4 : i32
    scf.for %scan3A_377 = %scan3A_134 to %scan3A_136 step %scan3A_137  : i32 {
      %mul3A_378 = arith.constant 16 : i32
      %mul3A_379 = arith.muli %scan3A_377, %mul3A_378 : i32
      %get3A_380 = arith.index_cast %mul3A_379 : i32 to index
      %get3A_381 = tpu.vector_load %arg5[%get3A_380] {strides = array<i32>} : memref<8192xf32, #tpu.memory_space<vmem>>, vector<16xf32>,
      %bitcast3A = vector.bitcast %get3A_381 : vector<16xf32> to vector<16xi32>
      %shift_right_logical3A = arith.constant 10 : i32
      %shift_right_logical3A_382 = vector.broadcast %shift_right_logical3A : i32 to vector<16xi32>
      %shift_right_logical3A_383 = arith.shrui %bitcast3A, %shift_right_logical3A_382 : vector<16xi32>
      %and3A = arith.constant 31 : i32
      %and3A_384 = vector.broadcast %and3A : i32 to vector<16xi32>
      %and3A_385 = arith.andi %shift_right_logical3A_383, %and3A_384 : vector<16xi32>
      %broadcast_in_dim3A_386 = arith.constant true
      %broadcast_in_dim3A_387 = vector.broadcast %broadcast_in_dim3A_386 : i1 to vector<16xi1>
      %unique3A_388, %unique3A_389 = tpu.scan_count mask(%broadcast_in_dim3A_387 : vector<16xi1>) value(%and3A_385 : vector<16xi32>) : vector<16xi1>, vector<16xi32>
      %sub3A_390 = vector.broadcast %reduce_min3A_11 : i32 to vector<16xi32>
      %sub3A_391 = arith.subi %unique3A_389, %sub3A_390 : vector<16xi32>
      %add3A_392 = arith.constant 1 : i32
      %add3A_393 = vector.broadcast %add3A_392 : i32 to vector<16xi32>
      %add3A_394 = arith.addi %sub3A_391, %add3A_393 : vector<16xi32>
      tpu.vector_store_idx %arg9[%and3A_385], %add3A_394 masked %unique3A_388 {add = true} : memref<32xi32, #tpu.memory_space<vmem>>[vector<16xi32>], vector<16xi32>, vector<16xi1>
      %scan3A_395 = arith.constant 1 : i32
      %scan3A_396 = arith.addi %scan3A_377, %scan3A_395 : i32
      %mul3A_397 = arith.constant 16 : i32
      %mul3A_398 = arith.muli %scan3A_396, %mul3A_397 : i32
      %get3A_399 = arith.index_cast %mul3A_398 : i32 to index
      %get3A_400 = tpu.vector_load %arg5[%get3A_399] {strides = array<i32>} : memref<8192xf32, #tpu.memory_space<vmem>>, vector<16xf32>,
      %bitcast3A_401 = vector.bitcast %get3A_400 : vector<16xf32> to vector<16xi32>
      %shift_right_logical3A_402 = arith.constant 10 : i32
      %shift_right_logical3A_403 = vector.broadcast %shift_right_logical3A_402 : i32 to vector<16xi32>
      %shift_right_logical3A_404 = arith.shrui %bitcast3A_401, %shift_right_logical3A_403 : vector<16xi32>
      %and3A_405 = arith.constant 31 : i32
      %and3A_406 = vector.broadcast %and3A_405 : i32 to vector<16xi32>
      %and3A_407 = arith.andi %shift_right_logical3A_404, %and3A_406 : vector<16xi32>
      %broadcast_in_dim3A_408 = arith.constant true
      %broadcast_in_dim3A_409 = vector.broadcast %broadcast_in_dim3A_408 : i1 to vector<16xi1>
      %unique3A_410, %unique3A_411 = tpu.scan_count mask(%broadcast_in_dim3A_409 : vector<16xi1>) value(%and3A_407 : vector<16xi32>) : vector<16xi1>, vector<16xi32>
      %sub3A_412 = vector.broadcast %reduce_min3A_11 : i32 to vector<16xi32>
      %sub3A_413 = arith.subi %unique3A_411, %sub3A_412 : vector<16xi32>
      %add3A_414 = arith.constant 1 : i32
      %add3A_415 = vector.broadcast %add3A_414 : i32 to vector<16xi32>
      %add3A_416 = arith.addi %sub3A_413, %add3A_415 : vector<16xi32>
      tpu.vector_store_idx %arg9[%and3A_407], %add3A_416 masked %unique3A_410 {add = true} : memref<32xi32, #tpu.memory_space<vmem>>[vector<16xi32>], vector<16xi32>, vector<16xi1>
      %scan3A_417 = arith.constant 2 : i32
      %scan3A_418 = arith.addi %scan3A_377, %scan3A_417 : i32
      %mul3A_419 = arith.constant 16 : i32
      %mul3A_420 = arith.muli %scan3A_418, %mul3A_419 : i32
      %get3A_421 = arith.index_cast %mul3A_420 : i32 to index
      %get3A_422 = tpu.vector_load %arg5[%get3A_421] {strides = array<i32>} : memref<8192xf32, #tpu.memory_space<vmem>>, vector<16xf32>,
      %bitcast3A_423 = vector.bitcast %get3A_422 : vector<16xf32> to vector<16xi32>
      %shift_right_logical3A_424 = arith.constant 10 : i32
      %shift_right_logical3A_425 = vector.broadcast %shift_right_logical3A_424 : i32 to vector<16xi32>
      %shift_right_logical3A_426 = arith.shrui %bitcast3A_423, %shift_right_logical3A_425 : vector<16xi32>
      %and3A_427 = arith.constant 31 : i32
      %and3A_428 = vector.broadcast %and3A_427 : i32 to vector<16xi32>
      %and3A_429 = arith.andi %shift_right_logical3A_426, %and3A_428 : vector<16xi32>
      %broadcast_in_dim3A_430 = arith.constant true
      %broadcast_in_dim3A_431 = vector.broadcast %broadcast_in_dim3A_430 : i1 to vector<16xi1>
      %unique3A_432, %unique3A_433 = tpu.scan_count mask(%broadcast_in_dim3A_431 : vector<16xi1>) value(%and3A_429 : vector<16xi32>) : vector<16xi1>, vector<16xi32>
      %sub3A_434 = vector.broadcast %reduce_min3A_11 : i32 to vector<16xi32>
      %sub3A_435 = arith.subi %unique3A_433, %sub3A_434 : vector<16xi32>
      %add3A_436 = arith.constant 1 : i32
      %add3A_437 = vector.broadcast %add3A_436 : i32 to vector<16xi32>
      %add3A_438 = arith.addi %sub3A_435, %add3A_437 : vector<16xi32>
      tpu.vector_store_idx %arg9[%and3A_429], %add3A_438 masked %unique3A_432 {add = true} : memref<32xi32, #tpu.memory_space<vmem>>[vector<16xi32>], vector<16xi32>, vector<16xi1>
      %scan3A_439 = arith.constant 3 : i32
      %scan3A_440 = arith.addi %scan3A_377, %scan3A_439 : i32
      %mul3A_441 = arith.constant 16 : i32
      %mul3A_442 = arith.muli %scan3A_440, %mul3A_441 : i32
      %get3A_443 = arith.index_cast %mul3A_442 : i32 to index
      %get3A_444 = tpu.vector_load %arg5[%get3A_443] {strides = array<i32>} : memref<8192xf32, #tpu.memory_space<vmem>>, vector<16xf32>,
      %bitcast3A_445 = vector.bitcast %get3A_444 : vector<16xf32> to vector<16xi32>
      %shift_right_logical3A_446 = arith.constant 10 : i32
      %shift_right_logical3A_447 = vector.broadcast %shift_right_logical3A_446 : i32 to vector<16xi32>
      %shift_right_logical3A_448 = arith.shrui %bitcast3A_445, %shift_right_logical3A_447 : vector<16xi32>
      %and3A_449 = arith.constant 31 : i32
      %and3A_450 = vector.broadcast %and3A_449 : i32 to vector<16xi32>
      %and3A_451 = arith.andi %shift_right_logical3A_448, %and3A_450 : vector<16xi32>
      %broadcast_in_dim3A_452 = arith.constant true
      %broadcast_in_dim3A_453 = vector.broadcast %broadcast_in_dim3A_452 : i1 to vector<16xi1>
      %unique3A_454, %unique3A_455 = tpu.scan_count mask(%broadcast_in_dim3A_453 : vector<16xi1>) value(%and3A_451 : vector<16xi32>) : vector<16xi1>, vector<16xi32>
      %sub3A_456 = vector.broadcast %reduce_min3A_11 : i32 to vector<16xi32>
      %sub3A_457 = arith.subi %unique3A_455, %sub3A_456 : vector<16xi32>
      %add3A_458 = arith.constant 1 : i32
      %add3A_459 = vector.broadcast %add3A_458 : i32 to vector<16xi32>
      %add3A_460 = arith.addi %sub3A_457, %add3A_459 : vector<16xi32>
      tpu.vector_store_idx %arg9[%and3A_451], %add3A_460 masked %unique3A_454 {add = true} : memref<32xi32, #tpu.memory_space<vmem>>[vector<16xi32>], vector<16xi32>, vector<16xi1>
    }
    %scan3A_138 = arith.constant 512 : i32
    %get3A_139 = arith.constant 0 : index
    %get3A_140 = tpu.vector_load %arg9[%get3A_139] {strides = array<i32>} : memref<32xi32, #tpu.memory_space<vmem>>, vector<16xi32>,
    %get3A_141 = arith.constant 16 : index
    %get3A_142 = tpu.vector_load %arg9[%get3A_141] {strides = array<i32>} : memref<32xi32, #tpu.memory_space<vmem>>, vector<16xi32>,
    %rev3A_143 = arith.constant 15 : i32
    %rev3A_144 = vector.broadcast %rev3A_143 : i32 to vector<16xi32>
    %rev3A_145 = tpu.iota {dimensions = array<i32: 0>} : vector<16xi32>
    %rev3A_146 = arith.subi %rev3A_144, %rev3A_145 : vector<16xi32>
    %rev3A_147 = tpu.dynamic_gather %get3A_142[%rev3A_146] in [0] : vector<16xi32>, vector<16xi32> -> vector<16xi32>
    %rev3A_148 = arith.constant 15 : i32
    %rev3A_149 = vector.broadcast %rev3A_148 : i32 to vector<16xi32>
    %rev3A_150 = tpu.iota {dimensions = array<i32: 0>} : vector<16xi32>
    %rev3A_151 = arith.subi %rev3A_149, %rev3A_150 : vector<16xi32>
    %rev3A_152 = tpu.dynamic_gather %get3A_140[%rev3A_151] in [0] : vector<16xi32>, vector<16xi32> -> vector<16xi32>
    %broadcast_in_dim3A_153 = arith.constant true
    %broadcast_in_dim3A_154 = vector.broadcast %broadcast_in_dim3A_153 : i1 to vector<16xi1>
    %masked_cumsum3A_155 = tpu.scan <sum>, %rev3A_147 masked %broadcast_in_dim3A_154 : vector<16xi32>, vector<16xi1> -> vector<16xi32>
    %broadcast_in_dim3A_156 = arith.constant true
    %broadcast_in_dim3A_157 = vector.broadcast %broadcast_in_dim3A_156 : i1 to vector<16xi1>
    %masked_cumsum3A_158 = tpu.scan <sum>, %rev3A_152 masked %broadcast_in_dim3A_157 : vector<16xi32>, vector<16xi1> -> vector<16xi32>
    %reduce_max3A_159 = arith.constant true
    %reduce_max3A_160 = vector.broadcast %reduce_max3A_159 : i1 to vector<16xi1>
    %reduce_max3A_161 = arith.constant -2147483648 : i32
    %reduce_max3A_162 = vector.broadcast %reduce_max3A_161 : i32 to vector<16xi32>
    %reduce_max3A_163 = arith.xori %masked_cumsum3A_155, %reduce_max3A_162 : vector<16xi32>
    %reduce_max3A_164 = tpu.scan <max>, %reduce_max3A_163 masked %reduce_max3A_160 : vector<16xi32>, vector<16xi1> -> vector<16xi32>
    %reduce_max3A_165 = arith.xori %reduce_max3A_164, %reduce_max3A_162 : vector<16xi32>
    %reduce_max3A_166 = vector.extract %reduce_max3A_165[15] : i32 from vector<16xi32>
    %sub3A_167 = arith.subi %masked_cumsum3A_155, %rev3A_147 : vector<16xi32>
    %sub3A_168 = arith.subi %masked_cumsum3A_158, %rev3A_152 : vector<16xi32>
    %add3A_169 = vector.broadcast %reduce_max3A_166 : i32 to vector<16xi32>
    %add3A_170 = arith.addi %sub3A_168, %add3A_169 : vector<16xi32>
    %rev3A_171 = arith.constant 15 : i32
    %rev3A_172 = vector.broadcast %rev3A_171 : i32 to vector<16xi32>
    %rev3A_173 = tpu.iota {dimensions = array<i32: 0>} : vector<16xi32>
    %rev3A_174 = arith.subi %rev3A_172, %rev3A_173 : vector<16xi32>
    %rev3A_175 = tpu.dynamic_gather %add3A_170[%rev3A_174] in [0] : vector<16xi32>, vector<16xi32> -> vector<16xi32>
    %swap3A_176 = arith.constant 0 : index
    %swap3A_177 = tpu.vector_load %arg9[%swap3A_176] {strides = array<i32>} : memref<32xi32, #tpu.memory_space<vmem>>, vector<16xi32>,
    tpu.vector_store %arg9[%swap3A_176], %rev3A_175 {strides = array<i32>} : memref<32xi32, #tpu.memory_space<vmem>>, vector<16xi32>,
    %rev3A_178 = arith.constant 15 : i32
    %rev3A_179 = vector.broadcast %rev3A_178 : i32 to vector<16xi32>
    %rev3A_180 = tpu.iota {dimensions = array<i32: 0>} : vector<16xi32>
    %rev3A_181 = arith.subi %rev3A_179, %rev3A_180 : vector<16xi32>
    %rev3A_182 = tpu.dynamic_gather %sub3A_167[%rev3A_181] in [0] : vector<16xi32>, vector<16xi32> -> vector<16xi32>
    %swap3A_183 = arith.constant 16 : index
    %swap3A_184 = tpu.vector_load %arg9[%swap3A_183] {strides = array<i32>} : memref<32xi32, #tpu.memory_space<vmem>>, vector<16xi32>,
    tpu.vector_store %arg9[%swap3A_183], %rev3A_182 {strides = array<i32>} : memref<32xi32, #tpu.memory_space<vmem>>, vector<16xi32>,
    %scan3A_185 = arith.constant 0 : i32
    %scan3A_186 = arith.constant 0 : i32
    %scan3A_187 = arith.constant 512 : i32
    %scan3A_188 = arith.addi %scan3A_186, %scan3A_187 : i32
    %scan3A_189 = arith.constant 4 : i32
    scf.for %scan3A_377 = %scan3A_186 to %scan3A_188 step %scan3A_189  : i32 {
      %mul3A_378 = arith.constant 16 : i32
      %mul3A_379 = arith.muli %scan3A_377, %mul3A_378 : i32
      %get3A_380 = arith.index_cast %mul3A_379 : i32 to index
      %get3A_381 = tpu.vector_load %arg5[%get3A_380] {strides = array<i32>} : memref<8192xf32, #tpu.memory_space<vmem>>, vector<16xf32>,
      %mul3A_382 = arith.constant 16 : i32
      %mul3A_383 = arith.muli %scan3A_377, %mul3A_382 : i32
      %get3A_384 = arith.index_cast %mul3A_383 : i32 to index
      %get3A_385 = tpu.vector_load %arg7[%get3A_384] {strides = array<i32>} : memref<8192xi32, #tpu.memory_space<vmem>>, vector<16xi32>,
      %bitcast3A = vector.bitcast %get3A_381 : vector<16xf32> to vector<16xi32>
      %shift_right_logical3A = arith.constant 10 : i32
      %shift_right_logical3A_386 = vector.broadcast %shift_right_logical3A : i32 to vector<16xi32>
      %shift_right_logical3A_387 = arith.shrui %bitcast3A, %shift_right_logical3A_386 : vector<16xi32>
      %and3A = arith.constant 31 : i32
      %and3A_388 = vector.broadcast %and3A : i32 to vector<16xi32>
      %and3A_389 = arith.andi %shift_right_logical3A_387, %and3A_388 : vector<16xi32>
      %broadcast_in_dim3A_390 = arith.constant true
      %broadcast_in_dim3A_391 = vector.broadcast %broadcast_in_dim3A_390 : i1 to vector<16xi1>
      %unique3A_392, %unique3A_393 = tpu.scan_count mask(%broadcast_in_dim3A_391 : vector<16xi1>) value(%and3A_389 : vector<16xi32>) : vector<16xi1>, vector<16xi32>
      %sub3A_394 = vector.broadcast %reduce_min3A_11 : i32 to vector<16xi32>
      %sub3A_395 = arith.subi %unique3A_393, %sub3A_394 : vector<16xi32>
      %gather3A = tpu.vector_load_idx %arg9[%and3A_389] : memref<32xi32, #tpu.memory_space<vmem>>[vector<16xi32>], vector<16xi32>,
      %add3A_396 = arith.addi %gather3A, %sub3A_395 : vector<16xi32>
      %add3A_397 = arith.constant 1 : i32
      %add3A_398 = vector.broadcast %add3A_397 : i32 to vector<16xi32>
      %add3A_399 = arith.addi %sub3A_395, %add3A_398 : vector<16xi32>
      tpu.vector_store_idx %arg9[%and3A_389], %add3A_399 masked %unique3A_392 {add = true} : memref<32xi32, #tpu.memory_space<vmem>>[vector<16xi32>], vector<16xi32>, vector<16xi1>
      tpu.vector_store_idx %arg6[%add3A_396], %get3A_381 : memref<8192xf32, #tpu.memory_space<vmem>>[vector<16xi32>], vector<16xf32>,
      tpu.vector_store_idx %arg8[%add3A_396], %get3A_385 : memref<8192xi32, #tpu.memory_space<vmem>>[vector<16xi32>], vector<16xi32>,
      %scan3A_400 = arith.constant 1 : i32
      %scan3A_401 = arith.addi %scan3A_377, %scan3A_400 : i32
      %mul3A_402 = arith.constant 16 : i32
      %mul3A_403 = arith.muli %scan3A_401, %mul3A_402 : i32
      %get3A_404 = arith.index_cast %mul3A_403 : i32 to index
      %get3A_405 = tpu.vector_load %arg5[%get3A_404] {strides = array<i32>} : memref<8192xf32, #tpu.memory_space<vmem>>, vector<16xf32>,
      %mul3A_406 = arith.constant 16 : i32
      %mul3A_407 = arith.muli %scan3A_401, %mul3A_406 : i32
      %get3A_408 = arith.index_cast %mul3A_407 : i32 to index
      %get3A_409 = tpu.vector_load %arg7[%get3A_408] {strides = array<i32>} : memref<8192xi32, #tpu.memory_space<vmem>>, vector<16xi32>,
      %bitcast3A_410 = vector.bitcast %get3A_405 : vector<16xf32> to vector<16xi32>
      %shift_right_logical3A_411 = arith.constant 10 : i32
      %shift_right_logical3A_412 = vector.broadcast %shift_right_logical3A_411 : i32 to vector<16xi32>
      %shift_right_logical3A_413 = arith.shrui %bitcast3A_410, %shift_right_logical3A_412 : vector<16xi32>
      %and3A_414 = arith.constant 31 : i32
      %and3A_415 = vector.broadcast %and3A_414 : i32 to vector<16xi32>
      %and3A_416 = arith.andi %shift_right_logical3A_413, %and3A_415 : vector<16xi32>
      %broadcast_in_dim3A_417 = arith.constant true
      %broadcast_in_dim3A_418 = vector.broadcast %broadcast_in_dim3A_417 : i1 to vector<16xi1>
      %unique3A_419, %unique3A_420 = tpu.scan_count mask(%broadcast_in_dim3A_418 : vector<16xi1>) value(%and3A_416 : vector<16xi32>) : vector<16xi1>, vector<16xi32>
      %sub3A_421 = vector.broadcast %reduce_min3A_11 : i32 to vector<16xi32>
      %sub3A_422 = arith.subi %unique3A_420, %sub3A_421 : vector<16xi32>
      %gather3A_423 = tpu.vector_load_idx %arg9[%and3A_416] : memref<32xi32, #tpu.memory_space<vmem>>[vector<16xi32>], vector<16xi32>,
      %add3A_424 = arith.addi %gather3A_423, %sub3A_422 : vector<16xi32>
      %add3A_425 = arith.constant 1 : i32
      %add3A_426 = vector.broadcast %add3A_425 : i32 to vector<16xi32>
      %add3A_427 = arith.addi %sub3A_422, %add3A_426 : vector<16xi32>
      tpu.vector_store_idx %arg9[%and3A_416], %add3A_427 masked %unique3A_419 {add = true} : memref<32xi32, #tpu.memory_space<vmem>>[vector<16xi32>], vector<16xi32>, vector<16xi1>
      tpu.vector_store_idx %arg6[%add3A_424], %get3A_405 : memref<8192xf32, #tpu.memory_space<vmem>>[vector<16xi32>], vector<16xf32>,
      tpu.vector_store_idx %arg8[%add3A_424], %get3A_409 : memref<8192xi32, #tpu.memory_space<vmem>>[vector<16xi32>], vector<16xi32>,
      %scan3A_428 = arith.constant 2 : i32
      %scan3A_429 = arith.addi %scan3A_377, %scan3A_428 : i32
      %mul3A_430 = arith.constant 16 : i32
      %mul3A_431 = arith.muli %scan3A_429, %mul3A_430 : i32
      %get3A_432 = arith.index_cast %mul3A_431 : i32 to index
      %get3A_433 = tpu.vector_load %arg5[%get3A_432] {strides = array<i32>} : memref<8192xf32, #tpu.memory_space<vmem>>, vector<16xf32>,
      %mul3A_434 = arith.constant 16 : i32
      %mul3A_435 = arith.muli %scan3A_429, %mul3A_434 : i32
      %get3A_436 = arith.index_cast %mul3A_435 : i32 to index
      %get3A_437 = tpu.vector_load %arg7[%get3A_436] {strides = array<i32>} : memref<8192xi32, #tpu.memory_space<vmem>>, vector<16xi32>,
      %bitcast3A_438 = vector.bitcast %get3A_433 : vector<16xf32> to vector<16xi32>
      %shift_right_logical3A_439 = arith.constant 10 : i32
      %shift_right_logical3A_440 = vector.broadcast %shift_right_logical3A_439 : i32 to vector<16xi32>
      %shift_right_logical3A_441 = arith.shrui %bitcast3A_438, %shift_right_logical3A_440 : vector<16xi32>
      %and3A_442 = arith.constant 31 : i32
      %and3A_443 = vector.broadcast %and3A_442 : i32 to vector<16xi32>
      %and3A_444 = arith.andi %shift_right_logical3A_441, %and3A_443 : vector<16xi32>
      %broadcast_in_dim3A_445 = arith.constant true
      %broadcast_in_dim3A_446 = vector.broadcast %broadcast_in_dim3A_445 : i1 to vector<16xi1>
      %unique3A_447, %unique3A_448 = tpu.scan_count mask(%broadcast_in_dim3A_446 : vector<16xi1>) value(%and3A_444 : vector<16xi32>) : vector<16xi1>, vector<16xi32>
      %sub3A_449 = vector.broadcast %reduce_min3A_11 : i32 to vector<16xi32>
      %sub3A_450 = arith.subi %unique3A_448, %sub3A_449 : vector<16xi32>
      %gather3A_451 = tpu.vector_load_idx %arg9[%and3A_444] : memref<32xi32, #tpu.memory_space<vmem>>[vector<16xi32>], vector<16xi32>,
      %add3A_452 = arith.addi %gather3A_451, %sub3A_450 : vector<16xi32>
      %add3A_453 = arith.constant 1 : i32
      %add3A_454 = vector.broadcast %add3A_453 : i32 to vector<16xi32>
      %add3A_455 = arith.addi %sub3A_450, %add3A_454 : vector<16xi32>
      tpu.vector_store_idx %arg9[%and3A_444], %add3A_455 masked %unique3A_447 {add = true} : memref<32xi32, #tpu.memory_space<vmem>>[vector<16xi32>], vector<16xi32>, vector<16xi1>
      tpu.vector_store_idx %arg6[%add3A_452], %get3A_433 : memref<8192xf32, #tpu.memory_space<vmem>>[vector<16xi32>], vector<16xf32>,
      tpu.vector_store_idx %arg8[%add3A_452], %get3A_437 : memref<8192xi32, #tpu.memory_space<vmem>>[vector<16xi32>], vector<16xi32>,
      %scan3A_456 = arith.constant 3 : i32
      %scan3A_457 = arith.addi %scan3A_377, %scan3A_456 : i32
      %mul3A_458 = arith.constant 16 : i32
      %mul3A_459 = arith.muli %scan3A_457, %mul3A_458 : i32
      %get3A_460 = arith.index_cast %mul3A_459 : i32 to index
      %get3A_461 = tpu.vector_load %arg5[%get3A_460] {strides = array<i32>} : memref<8192xf32, #tpu.memory_space<vmem>>, vector<16xf32>,
      %mul3A_462 = arith.constant 16 : i32
      %mul3A_463 = arith.muli %scan3A_457, %mul3A_462 : i32
      %get3A_464 = arith.index_cast %mul3A_463 : i32 to index
      %get3A_465 = tpu.vector_load %arg7[%get3A_464] {strides = array<i32>} : memref<8192xi32, #tpu.memory_space<vmem>>, vector<16xi32>,
      %bitcast3A_466 = vector.bitcast %get3A_461 : vector<16xf32> to vector<16xi32>
      %shift_right_logical3A_467 = arith.constant 10 : i32
      %shift_right_logical3A_468 = vector.broadcast %shift_right_logical3A_467 : i32 to vector<16xi32>
      %shift_right_logical3A_469 = arith.shrui %bitcast3A_466, %shift_right_logical3A_468 : vector<16xi32>
      %and3A_470 = arith.constant 31 : i32
      %and3A_471 = vector.broadcast %and3A_470 : i32 to vector<16xi32>
      %and3A_472 = arith.andi %shift_right_logical3A_469, %and3A_471 : vector<16xi32>
      %broadcast_in_dim3A_473 = arith.constant true
      %broadcast_in_dim3A_474 = vector.broadcast %broadcast_in_dim3A_473 : i1 to vector<16xi1>
      %unique3A_475, %unique3A_476 = tpu.scan_count mask(%broadcast_in_dim3A_474 : vector<16xi1>) value(%and3A_472 : vector<16xi32>) : vector<16xi1>, vector<16xi32>
      %sub3A_477 = vector.broadcast %reduce_min3A_11 : i32 to vector<16xi32>
      %sub3A_478 = arith.subi %unique3A_476, %sub3A_477 : vector<16xi32>
      %gather3A_479 = tpu.vector_load_idx %arg9[%and3A_472] : memref<32xi32, #tpu.memory_space<vmem>>[vector<16xi32>], vector<16xi32>,
      %add3A_480 = arith.addi %gather3A_479, %sub3A_478 : vector<16xi32>
      %add3A_481 = arith.constant 1 : i32
      %add3A_482 = vector.broadcast %add3A_481 : i32 to vector<16xi32>
      %add3A_483 = arith.addi %sub3A_478, %add3A_482 : vector<16xi32>
      tpu.vector_store_idx %arg9[%and3A_472], %add3A_483 masked %unique3A_475 {add = true} : memref<32xi32, #tpu.memory_space<vmem>>[vector<16xi32>], vector<16xi32>, vector<16xi1>
      tpu.vector_store_idx %arg6[%add3A_480], %get3A_461 : memref<8192xf32, #tpu.memory_space<vmem>>[vector<16xi32>], vector<16xf32>,
      tpu.vector_store_idx %arg8[%add3A_480], %get3A_465 : memref<8192xi32, #tpu.memory_space<vmem>>[vector<16xi32>], vector<16xi32>,
    }
    %scan3A_190 = arith.constant 512 : i32
    %swap3A_191 = arith.constant 0 : index
    %swap3A_192 = tpu.vector_load %arg9[%swap3A_191] {strides = array<i32>} : memref<32xi32, #tpu.memory_space<vmem>>, vector<16xi32>,
    tpu.vector_store %arg9[%swap3A_191], %broadcast_in_dim3A_1 {strides = array<i32>} : memref<32xi32, #tpu.memory_space<vmem>>, vector<16xi32>,
    %swap3A_193 = arith.constant 16 : index
    %swap3A_194 = tpu.vector_load %arg9[%swap3A_193] {strides = array<i32>} : memref<32xi32, #tpu.memory_space<vmem>>, vector<16xi32>,
    tpu.vector_store %arg9[%swap3A_193], %broadcast_in_dim3A_1 {strides = array<i32>} : memref<32xi32, #tpu.memory_space<vmem>>, vector<16xi32>,
    %scan3A_195 = arith.constant 0 : i32
    %scan3A_196 = arith.constant 0 : i32
    %scan3A_197 = arith.constant 512 : i32
    %scan3A_198 = arith.addi %scan3A_196, %scan3A_197 : i32
    %scan3A_199 = arith.constant 4 : i32
    scf.for %scan3A_377 = %scan3A_196 to %scan3A_198 step %scan3A_199  : i32 {
      %mul3A_378 = arith.constant 16 : i32
      %mul3A_379 = arith.muli %scan3A_377, %mul3A_378 : i32
      %get3A_380 = arith.index_cast %mul3A_379 : i32 to index
      %get3A_381 = tpu.vector_load %arg6[%get3A_380] {strides = array<i32>} : memref<8192xf32, #tpu.memory_space<vmem>>, vector<16xf32>,
      %bitcast3A = vector.bitcast %get3A_381 : vector<16xf32> to vector<16xi32>
      %shift_right_logical3A = arith.constant 15 : i32
      %shift_right_logical3A_382 = vector.broadcast %shift_right_logical3A : i32 to vector<16xi32>
      %shift_right_logical3A_383 = arith.shrui %bitcast3A, %shift_right_logical3A_382 : vector<16xi32>
      %and3A = arith.constant 31 : i32
      %and3A_384 = vector.broadcast %and3A : i32 to vector<16xi32>
      %and3A_385 = arith.andi %shift_right_logical3A_383, %and3A_384 : vector<16xi32>
      %broadcast_in_dim3A_386 = arith.constant true
      %broadcast_in_dim3A_387 = vector.broadcast %broadcast_in_dim3A_386 : i1 to vector<16xi1>
      %unique3A_388, %unique3A_389 = tpu.scan_count mask(%broadcast_in_dim3A_387 : vector<16xi1>) value(%and3A_385 : vector<16xi32>) : vector<16xi1>, vector<16xi32>
      %sub3A_390 = vector.broadcast %reduce_min3A_11 : i32 to vector<16xi32>
      %sub3A_391 = arith.subi %unique3A_389, %sub3A_390 : vector<16xi32>
      %add3A_392 = arith.constant 1 : i32
      %add3A_393 = vector.broadcast %add3A_392 : i32 to vector<16xi32>
      %add3A_394 = arith.addi %sub3A_391, %add3A_393 : vector<16xi32>
      tpu.vector_store_idx %arg9[%and3A_385], %add3A_394 masked %unique3A_388 {add = true} : memref<32xi32, #tpu.memory_space<vmem>>[vector<16xi32>], vector<16xi32>, vector<16xi1>
      %scan3A_395 = arith.constant 1 : i32
      %scan3A_396 = arith.addi %scan3A_377, %scan3A_395 : i32
      %mul3A_397 = arith.constant 16 : i32
      %mul3A_398 = arith.muli %scan3A_396, %mul3A_397 : i32
      %get3A_399 = arith.index_cast %mul3A_398 : i32 to index
      %get3A_400 = tpu.vector_load %arg6[%get3A_399] {strides = array<i32>} : memref<8192xf32, #tpu.memory_space<vmem>>, vector<16xf32>,
      %bitcast3A_401 = vector.bitcast %get3A_400 : vector<16xf32> to vector<16xi32>
      %shift_right_logical3A_402 = arith.constant 15 : i32
      %shift_right_logical3A_403 = vector.broadcast %shift_right_logical3A_402 : i32 to vector<16xi32>
      %shift_right_logical3A_404 = arith.shrui %bitcast3A_401, %shift_right_logical3A_403 : vector<16xi32>
      %and3A_405 = arith.constant 31 : i32
      %and3A_406 = vector.broadcast %and3A_405 : i32 to vector<16xi32>
      %and3A_407 = arith.andi %shift_right_logical3A_404, %and3A_406 : vector<16xi32>
      %broadcast_in_dim3A_408 = arith.constant true
      %broadcast_in_dim3A_409 = vector.broadcast %broadcast_in_dim3A_408 : i1 to vector<16xi1>
      %unique3A_410, %unique3A_411 = tpu.scan_count mask(%broadcast_in_dim3A_409 : vector<16xi1>) value(%and3A_407 : vector<16xi32>) : vector<16xi1>, vector<16xi32>
      %sub3A_412 = vector.broadcast %reduce_min3A_11 : i32 to vector<16xi32>
      %sub3A_413 = arith.subi %unique3A_411, %sub3A_412 : vector<16xi32>
      %add3A_414 = arith.constant 1 : i32
      %add3A_415 = vector.broadcast %add3A_414 : i32 to vector<16xi32>
      %add3A_416 = arith.addi %sub3A_413, %add3A_415 : vector<16xi32>
      tpu.vector_store_idx %arg9[%and3A_407], %add3A_416 masked %unique3A_410 {add = true} : memref<32xi32, #tpu.memory_space<vmem>>[vector<16xi32>], vector<16xi32>, vector<16xi1>
      %scan3A_417 = arith.constant 2 : i32
      %scan3A_418 = arith.addi %scan3A_377, %scan3A_417 : i32
      %mul3A_419 = arith.constant 16 : i32
      %mul3A_420 = arith.muli %scan3A_418, %mul3A_419 : i32
      %get3A_421 = arith.index_cast %mul3A_420 : i32 to index
      %get3A_422 = tpu.vector_load %arg6[%get3A_421] {strides = array<i32>} : memref<8192xf32, #tpu.memory_space<vmem>>, vector<16xf32>,
      %bitcast3A_423 = vector.bitcast %get3A_422 : vector<16xf32> to vector<16xi32>
      %shift_right_logical3A_424 = arith.constant 15 : i32
      %shift_right_logical3A_425 = vector.broadcast %shift_right_logical3A_424 : i32 to vector<16xi32>
      %shift_right_logical3A_426 = arith.shrui %bitcast3A_423, %shift_right_logical3A_425 : vector<16xi32>
      %and3A_427 = arith.constant 31 : i32
      %and3A_428 = vector.broadcast %and3A_427 : i32 to vector<16xi32>
      %and3A_429 = arith.andi %shift_right_logical3A_426, %and3A_428 : vector<16xi32>
      %broadcast_in_dim3A_430 = arith.constant true
      %broadcast_in_dim3A_431 = vector.broadcast %broadcast_in_dim3A_430 : i1 to vector<16xi1>
      %unique3A_432, %unique3A_433 = tpu.scan_count mask(%broadcast_in_dim3A_431 : vector<16xi1>) value(%and3A_429 : vector<16xi32>) : vector<16xi1>, vector<16xi32>
      %sub3A_434 = vector.broadcast %reduce_min3A_11 : i32 to vector<16xi32>
      %sub3A_435 = arith.subi %unique3A_433, %sub3A_434 : vector<16xi32>
      %add3A_436 = arith.constant 1 : i32
      %add3A_437 = vector.broadcast %add3A_436 : i32 to vector<16xi32>
      %add3A_438 = arith.addi %sub3A_435, %add3A_437 : vector<16xi32>
      tpu.vector_store_idx %arg9[%and3A_429], %add3A_438 masked %unique3A_432 {add = true} : memref<32xi32, #tpu.memory_space<vmem>>[vector<16xi32>], vector<16xi32>, vector<16xi1>
      %scan3A_439 = arith.constant 3 : i32
      %scan3A_440 = arith.addi %scan3A_377, %scan3A_439 : i32
      %mul3A_441 = arith.constant 16 : i32
      %mul3A_442 = arith.muli %scan3A_440, %mul3A_441 : i32
      %get3A_443 = arith.index_cast %mul3A_442 : i32 to index
      %get3A_444 = tpu.vector_load %arg6[%get3A_443] {strides = array<i32>} : memref<8192xf32, #tpu.memory_space<vmem>>, vector<16xf32>,
      %bitcast3A_445 = vector.bitcast %get3A_444 : vector<16xf32> to vector<16xi32>
      %shift_right_logical3A_446 = arith.constant 15 : i32
      %shift_right_logical3A_447 = vector.broadcast %shift_right_logical3A_446 : i32 to vector<16xi32>
      %shift_right_logical3A_448 = arith.shrui %bitcast3A_445, %shift_right_logical3A_447 : vector<16xi32>
      %and3A_449 = arith.constant 31 : i32
      %and3A_450 = vector.broadcast %and3A_449 : i32 to vector<16xi32>
      %and3A_451 = arith.andi %shift_right_logical3A_448, %and3A_450 : vector<16xi32>
      %broadcast_in_dim3A_452 = arith.constant true
      %broadcast_in_dim3A_453 = vector.broadcast %broadcast_in_dim3A_452 : i1 to vector<16xi1>
      %unique3A_454, %unique3A_455 = tpu.scan_count mask(%broadcast_in_dim3A_453 : vector<16xi1>) value(%and3A_451 : vector<16xi32>) : vector<16xi1>, vector<16xi32>
      %sub3A_456 = vector.broadcast %reduce_min3A_11 : i32 to vector<16xi32>
      %sub3A_457 = arith.subi %unique3A_455, %sub3A_456 : vector<16xi32>
      %add3A_458 = arith.constant 1 : i32
      %add3A_459 = vector.broadcast %add3A_458 : i32 to vector<16xi32>
      %add3A_460 = arith.addi %sub3A_457, %add3A_459 : vector<16xi32>
      tpu.vector_store_idx %arg9[%and3A_451], %add3A_460 masked %unique3A_454 {add = true} : memref<32xi32, #tpu.memory_space<vmem>>[vector<16xi32>], vector<16xi32>, vector<16xi1>
    }
    %scan3A_200 = arith.constant 512 : i32
    %get3A_201 = arith.constant 0 : index
    %get3A_202 = tpu.vector_load %arg9[%get3A_201] {strides = array<i32>} : memref<32xi32, #tpu.memory_space<vmem>>, vector<16xi32>,
    %get3A_203 = arith.constant 16 : index
    %get3A_204 = tpu.vector_load %arg9[%get3A_203] {strides = array<i32>} : memref<32xi32, #tpu.memory_space<vmem>>, vector<16xi32>,
    %rev3A_205 = arith.constant 15 : i32
    %rev3A_206 = vector.broadcast %rev3A_205 : i32 to vector<16xi32>
    %rev3A_207 = tpu.iota {dimensions = array<i32: 0>} : vector<16xi32>
    %rev3A_208 = arith.subi %rev3A_206, %rev3A_207 : vector<16xi32>
    %rev3A_209 = tpu.dynamic_gather %get3A_204[%rev3A_208] in [0] : vector<16xi32>, vector<16xi32> -> vector<16xi32>
    %rev3A_210 = arith.constant 15 : i32
    %rev3A_211 = vector.broadcast %rev3A_210 : i32 to vector<16xi32>
    %rev3A_212 = tpu.iota {dimensions = array<i32: 0>} : vector<16xi32>
    %rev3A_213 = arith.subi %rev3A_211, %rev3A_212 : vector<16xi32>
    %rev3A_214 = tpu.dynamic_gather %get3A_202[%rev3A_213] in [0] : vector<16xi32>, vector<16xi32> -> vector<16xi32>
    %broadcast_in_dim3A_215 = arith.constant true
    %broadcast_in_dim3A_216 = vector.broadcast %broadcast_in_dim3A_215 : i1 to vector<16xi1>
    %masked_cumsum3A_217 = tpu.scan <sum>, %rev3A_209 masked %broadcast_in_dim3A_216 : vector<16xi32>, vector<16xi1> -> vector<16xi32>
    %broadcast_in_dim3A_218 = arith.constant true
    %broadcast_in_dim3A_219 = vector.broadcast %broadcast_in_dim3A_218 : i1 to vector<16xi1>
    %masked_cumsum3A_220 = tpu.scan <sum>, %rev3A_214 masked %broadcast_in_dim3A_219 : vector<16xi32>, vector<16xi1> -> vector<16xi32>
    %reduce_max3A_221 = arith.constant true
    %reduce_max3A_222 = vector.broadcast %reduce_max3A_221 : i1 to vector<16xi1>
    %reduce_max3A_223 = arith.constant -2147483648 : i32
    %reduce_max3A_224 = vector.broadcast %reduce_max3A_223 : i32 to vector<16xi32>
    %reduce_max3A_225 = arith.xori %masked_cumsum3A_217, %reduce_max3A_224 : vector<16xi32>
    %reduce_max3A_226 = tpu.scan <max>, %reduce_max3A_225 masked %reduce_max3A_222 : vector<16xi32>, vector<16xi1> -> vector<16xi32>
    %reduce_max3A_227 = arith.xori %reduce_max3A_226, %reduce_max3A_224 : vector<16xi32>
    %reduce_max3A_228 = vector.extract %reduce_max3A_227[15] : i32 from vector<16xi32>
    %sub3A_229 = arith.subi %masked_cumsum3A_217, %rev3A_209 : vector<16xi32>
    %sub3A_230 = arith.subi %masked_cumsum3A_220, %rev3A_214 : vector<16xi32>
    %add3A_231 = vector.broadcast %reduce_max3A_228 : i32 to vector<16xi32>
    %add3A_232 = arith.addi %sub3A_230, %add3A_231 : vector<16xi32>
    %rev3A_233 = arith.constant 15 : i32
    %rev3A_234 = vector.broadcast %rev3A_233 : i32 to vector<16xi32>
    %rev3A_235 = tpu.iota {dimensions = array<i32: 0>} : vector<16xi32>
    %rev3A_236 = arith.subi %rev3A_234, %rev3A_235 : vector<16xi32>
    %rev3A_237 = tpu.dynamic_gather %add3A_232[%rev3A_236] in [0] : vector<16xi32>, vector<16xi32> -> vector<16xi32>
    %swap3A_238 = arith.constant 0 : index
    %swap3A_239 = tpu.vector_load %arg9[%swap3A_238] {strides = array<i32>} : memref<32xi32, #tpu.memory_space<vmem>>, vector<16xi32>,
    tpu.vector_store %arg9[%swap3A_238], %rev3A_237 {strides = array<i32>} : memref<32xi32, #tpu.memory_space<vmem>>, vector<16xi32>,
    %rev3A_240 = arith.constant 15 : i32
    %rev3A_241 = vector.broadcast %rev3A_240 : i32 to vector<16xi32>
    %rev3A_242 = tpu.iota {dimensions = array<i32: 0>} : vector<16xi32>
    %rev3A_243 = arith.subi %rev3A_241, %rev3A_242 : vector<16xi32>
    %rev3A_244 = tpu.dynamic_gather %sub3A_229[%rev3A_243] in [0] : vector<16xi32>, vector<16xi32> -> vector<16xi32>
    %swap3A_245 = arith.constant 16 : index
    %swap3A_246 = tpu.vector_load %arg9[%swap3A_245] {strides = array<i32>} : memref<32xi32, #tpu.memory_space<vmem>>, vector<16xi32>,
    tpu.vector_store %arg9[%swap3A_245], %rev3A_244 {strides = array<i32>} : memref<32xi32, #tpu.memory_space<vmem>>, vector<16xi32>,
    %scan3A_247 = arith.constant 0 : i32
    %scan3A_248 = arith.constant 0 : i32
    %scan3A_249 = arith.constant 512 : i32
    %scan3A_250 = arith.addi %scan3A_248, %scan3A_249 : i32
    %scan3A_251 = arith.constant 4 : i32
    scf.for %scan3A_377 = %scan3A_248 to %scan3A_250 step %scan3A_251  : i32 {
      %mul3A_378 = arith.constant 16 : i32
      %mul3A_379 = arith.muli %scan3A_377, %mul3A_378 : i32
      %get3A_380 = arith.index_cast %mul3A_379 : i32 to index
      %get3A_381 = tpu.vector_load %arg6[%get3A_380] {strides = array<i32>} : memref<8192xf32, #tpu.memory_space<vmem>>, vector<16xf32>,
      %mul3A_382 = arith.constant 16 : i32
      %mul3A_383 = arith.muli %scan3A_377, %mul3A_382 : i32
      %get3A_384 = arith.index_cast %mul3A_383 : i32 to index
      %get3A_385 = tpu.vector_load %arg8[%get3A_384] {strides = array<i32>} : memref<8192xi32, #tpu.memory_space<vmem>>, vector<16xi32>,
      %bitcast3A = vector.bitcast %get3A_381 : vector<16xf32> to vector<16xi32>
      %shift_right_logical3A = arith.constant 15 : i32
      %shift_right_logical3A_386 = vector.broadcast %shift_right_logical3A : i32 to vector<16xi32>
      %shift_right_logical3A_387 = arith.shrui %bitcast3A, %shift_right_logical3A_386 : vector<16xi32>
      %and3A = arith.constant 31 : i32
      %and3A_388 = vector.broadcast %and3A : i32 to vector<16xi32>
      %and3A_389 = arith.andi %shift_right_logical3A_387, %and3A_388 : vector<16xi32>
      %broadcast_in_dim3A_390 = arith.constant true
      %broadcast_in_dim3A_391 = vector.broadcast %broadcast_in_dim3A_390 : i1 to vector<16xi1>
      %unique3A_392, %unique3A_393 = tpu.scan_count mask(%broadcast_in_dim3A_391 : vector<16xi1>) value(%and3A_389 : vector<16xi32>) : vector<16xi1>, vector<16xi32>
      %sub3A_394 = vector.broadcast %reduce_min3A_11 : i32 to vector<16xi32>
      %sub3A_395 = arith.subi %unique3A_393, %sub3A_394 : vector<16xi32>
      %gather3A = tpu.vector_load_idx %arg9[%and3A_389] : memref<32xi32, #tpu.memory_space<vmem>>[vector<16xi32>], vector<16xi32>,
      %add3A_396 = arith.addi %gather3A, %sub3A_395 : vector<16xi32>
      %add3A_397 = arith.constant 1 : i32
      %add3A_398 = vector.broadcast %add3A_397 : i32 to vector<16xi32>
      %add3A_399 = arith.addi %sub3A_395, %add3A_398 : vector<16xi32>
      tpu.vector_store_idx %arg9[%and3A_389], %add3A_399 masked %unique3A_392 {add = true} : memref<32xi32, #tpu.memory_space<vmem>>[vector<16xi32>], vector<16xi32>, vector<16xi1>
      tpu.vector_store_idx %arg5[%add3A_396], %get3A_381 : memref<8192xf32, #tpu.memory_space<vmem>>[vector<16xi32>], vector<16xf32>,
      tpu.vector_store_idx %arg7[%add3A_396], %get3A_385 : memref<8192xi32, #tpu.memory_space<vmem>>[vector<16xi32>], vector<16xi32>,
      %scan3A_400 = arith.constant 1 : i32
      %scan3A_401 = arith.addi %scan3A_377, %scan3A_400 : i32
      %mul3A_402 = arith.constant 16 : i32
      %mul3A_403 = arith.muli %scan3A_401, %mul3A_402 : i32
      %get3A_404 = arith.index_cast %mul3A_403 : i32 to index
      %get3A_405 = tpu.vector_load %arg6[%get3A_404] {strides = array<i32>} : memref<8192xf32, #tpu.memory_space<vmem>>, vector<16xf32>,
      %mul3A_406 = arith.constant 16 : i32
      %mul3A_407 = arith.muli %scan3A_401, %mul3A_406 : i32
      %get3A_408 = arith.index_cast %mul3A_407 : i32 to index
      %get3A_409 = tpu.vector_load %arg8[%get3A_408] {strides = array<i32>} : memref<8192xi32, #tpu.memory_space<vmem>>, vector<16xi32>,
      %bitcast3A_410 = vector.bitcast %get3A_405 : vector<16xf32> to vector<16xi32>
      %shift_right_logical3A_411 = arith.constant 15 : i32
      %shift_right_logical3A_412 = vector.broadcast %shift_right_logical3A_411 : i32 to vector<16xi32>
      %shift_right_logical3A_413 = arith.shrui %bitcast3A_410, %shift_right_logical3A_412 : vector<16xi32>
      %and3A_414 = arith.constant 31 : i32
      %and3A_415 = vector.broadcast %and3A_414 : i32 to vector<16xi32>
      %and3A_416 = arith.andi %shift_right_logical3A_413, %and3A_415 : vector<16xi32>
      %broadcast_in_dim3A_417 = arith.constant true
      %broadcast_in_dim3A_418 = vector.broadcast %broadcast_in_dim3A_417 : i1 to vector<16xi1>
      %unique3A_419, %unique3A_420 = tpu.scan_count mask(%broadcast_in_dim3A_418 : vector<16xi1>) value(%and3A_416 : vector<16xi32>) : vector<16xi1>, vector<16xi32>
      %sub3A_421 = vector.broadcast %reduce_min3A_11 : i32 to vector<16xi32>
      %sub3A_422 = arith.subi %unique3A_420, %sub3A_421 : vector<16xi32>
      %gather3A_423 = tpu.vector_load_idx %arg9[%and3A_416] : memref<32xi32, #tpu.memory_space<vmem>>[vector<16xi32>], vector<16xi32>,
      %add3A_424 = arith.addi %gather3A_423, %sub3A_422 : vector<16xi32>
      %add3A_425 = arith.constant 1 : i32
      %add3A_426 = vector.broadcast %add3A_425 : i32 to vector<16xi32>
      %add3A_427 = arith.addi %sub3A_422, %add3A_426 : vector<16xi32>
      tpu.vector_store_idx %arg9[%and3A_416], %add3A_427 masked %unique3A_419 {add = true} : memref<32xi32, #tpu.memory_space<vmem>>[vector<16xi32>], vector<16xi32>, vector<16xi1>
      tpu.vector_store_idx %arg5[%add3A_424], %get3A_405 : memref<8192xf32, #tpu.memory_space<vmem>>[vector<16xi32>], vector<16xf32>,
      tpu.vector_store_idx %arg7[%add3A_424], %get3A_409 : memref<8192xi32, #tpu.memory_space<vmem>>[vector<16xi32>], vector<16xi32>,
      %scan3A_428 = arith.constant 2 : i32
      %scan3A_429 = arith.addi %scan3A_377, %scan3A_428 : i32
      %mul3A_430 = arith.constant 16 : i32
      %mul3A_431 = arith.muli %scan3A_429, %mul3A_430 : i32
      %get3A_432 = arith.index_cast %mul3A_431 : i32 to index
      %get3A_433 = tpu.vector_load %arg6[%get3A_432] {strides = array<i32>} : memref<8192xf32, #tpu.memory_space<vmem>>, vector<16xf32>,
      %mul3A_434 = arith.constant 16 : i32
      %mul3A_435 = arith.muli %scan3A_429, %mul3A_434 : i32
      %get3A_436 = arith.index_cast %mul3A_435 : i32 to index
      %get3A_437 = tpu.vector_load %arg8[%get3A_436] {strides = array<i32>} : memref<8192xi32, #tpu.memory_space<vmem>>, vector<16xi32>,
      %bitcast3A_438 = vector.bitcast %get3A_433 : vector<16xf32> to vector<16xi32>
      %shift_right_logical3A_439 = arith.constant 15 : i32
      %shift_right_logical3A_440 = vector.broadcast %shift_right_logical3A_439 : i32 to vector<16xi32>
      %shift_right_logical3A_441 = arith.shrui %bitcast3A_438, %shift_right_logical3A_440 : vector<16xi32>
      %and3A_442 = arith.constant 31 : i32
      %and3A_443 = vector.broadcast %and3A_442 : i32 to vector<16xi32>
      %and3A_444 = arith.andi %shift_right_logical3A_441, %and3A_443 : vector<16xi32>
      %broadcast_in_dim3A_445 = arith.constant true
      %broadcast_in_dim3A_446 = vector.broadcast %broadcast_in_dim3A_445 : i1 to vector<16xi1>
      %unique3A_447, %unique3A_448 = tpu.scan_count mask(%broadcast_in_dim3A_446 : vector<16xi1>) value(%and3A_444 : vector<16xi32>) : vector<16xi1>, vector<16xi32>
      %sub3A_449 = vector.broadcast %reduce_min3A_11 : i32 to vector<16xi32>
      %sub3A_450 = arith.subi %unique3A_448, %sub3A_449 : vector<16xi32>
      %gather3A_451 = tpu.vector_load_idx %arg9[%and3A_444] : memref<32xi32, #tpu.memory_space<vmem>>[vector<16xi32>], vector<16xi32>,
      %add3A_452 = arith.addi %gather3A_451, %sub3A_450 : vector<16xi32>
      %add3A_453 = arith.constant 1 : i32
      %add3A_454 = vector.broadcast %add3A_453 : i32 to vector<16xi32>
      %add3A_455 = arith.addi %sub3A_450, %add3A_454 : vector<16xi32>
      tpu.vector_store_idx %arg9[%and3A_444], %add3A_455 masked %unique3A_447 {add = true} : memref<32xi32, #tpu.memory_space<vmem>>[vector<16xi32>], vector<16xi32>, vector<16xi1>
      tpu.vector_store_idx %arg5[%add3A_452], %get3A_433 : memref<8192xf32, #tpu.memory_space<vmem>>[vector<16xi32>], vector<16xf32>,
      tpu.vector_store_idx %arg7[%add3A_452], %get3A_437 : memref<8192xi32, #tpu.memory_space<vmem>>[vector<16xi32>], vector<16xi32>,
      %scan3A_456 = arith.constant 3 : i32
      %scan3A_457 = arith.addi %scan3A_377, %scan3A_456 : i32
      %mul3A_458 = arith.constant 16 : i32
      %mul3A_459 = arith.muli %scan3A_457, %mul3A_458 : i32
      %get3A_460 = arith.index_cast %mul3A_459 : i32 to index
      %get3A_461 = tpu.vector_load %arg6[%get3A_460] {strides = array<i32>} : memref<8192xf32, #tpu.memory_space<vmem>>, vector<16xf32>,
      %mul3A_462 = arith.constant 16 : i32
      %mul3A_463 = arith.muli %scan3A_457, %mul3A_462 : i32
      %get3A_464 = arith.index_cast %mul3A_463 : i32 to index
      %get3A_465 = tpu.vector_load %arg8[%get3A_464] {strides = array<i32>} : memref<8192xi32, #tpu.memory_space<vmem>>, vector<16xi32>,
      %bitcast3A_466 = vector.bitcast %get3A_461 : vector<16xf32> to vector<16xi32>
      %shift_right_logical3A_467 = arith.constant 15 : i32
      %shift_right_logical3A_468 = vector.broadcast %shift_right_logical3A_467 : i32 to vector<16xi32>
      %shift_right_logical3A_469 = arith.shrui %bitcast3A_466, %shift_right_logical3A_468 : vector<16xi32>
      %and3A_470 = arith.constant 31 : i32
      %and3A_471 = vector.broadcast %and3A_470 : i32 to vector<16xi32>
      %and3A_472 = arith.andi %shift_right_logical3A_469, %and3A_471 : vector<16xi32>
      %broadcast_in_dim3A_473 = arith.constant true
      %broadcast_in_dim3A_474 = vector.broadcast %broadcast_in_dim3A_473 : i1 to vector<16xi1>
      %unique3A_475, %unique3A_476 = tpu.scan_count mask(%broadcast_in_dim3A_474 : vector<16xi1>) value(%and3A_472 : vector<16xi32>) : vector<16xi1>, vector<16xi32>
      %sub3A_477 = vector.broadcast %reduce_min3A_11 : i32 to vector<16xi32>
      %sub3A_478 = arith.subi %unique3A_476, %sub3A_477 : vector<16xi32>
      %gather3A_479 = tpu.vector_load_idx %arg9[%and3A_472] : memref<32xi32, #tpu.memory_space<vmem>>[vector<16xi32>], vector<16xi32>,
      %add3A_480 = arith.addi %gather3A_479, %sub3A_478 : vector<16xi32>
      %add3A_481 = arith.constant 1 : i32
      %add3A_482 = vector.broadcast %add3A_481 : i32 to vector<16xi32>
      %add3A_483 = arith.addi %sub3A_478, %add3A_482 : vector<16xi32>
      tpu.vector_store_idx %arg9[%and3A_472], %add3A_483 masked %unique3A_475 {add = true} : memref<32xi32, #tpu.memory_space<vmem>>[vector<16xi32>], vector<16xi32>, vector<16xi1>
      tpu.vector_store_idx %arg5[%add3A_480], %get3A_461 : memref<8192xf32, #tpu.memory_space<vmem>>[vector<16xi32>], vector<16xf32>,
      tpu.vector_store_idx %arg7[%add3A_480], %get3A_465 : memref<8192xi32, #tpu.memory_space<vmem>>[vector<16xi32>], vector<16xi32>,
    }
    %scan3A_252 = arith.constant 512 : i32
    %swap3A_253 = arith.constant 0 : index
    %swap3A_254 = tpu.vector_load %arg9[%swap3A_253] {strides = array<i32>} : memref<32xi32, #tpu.memory_space<vmem>>, vector<16xi32>,
    tpu.vector_store %arg9[%swap3A_253], %broadcast_in_dim3A_1 {strides = array<i32>} : memref<32xi32, #tpu.memory_space<vmem>>, vector<16xi32>,
    %swap3A_255 = arith.constant 16 : index
    %swap3A_256 = tpu.vector_load %arg9[%swap3A_255] {strides = array<i32>} : memref<32xi32, #tpu.memory_space<vmem>>, vector<16xi32>,
    tpu.vector_store %arg9[%swap3A_255], %broadcast_in_dim3A_1 {strides = array<i32>} : memref<32xi32, #tpu.memory_space<vmem>>, vector<16xi32>,
    %scan3A_257 = arith.constant 0 : i32
    %scan3A_258 = arith.constant 0 : i32
    %scan3A_259 = arith.constant 512 : i32
    %scan3A_260 = arith.addi %scan3A_258, %scan3A_259 : i32
    %scan3A_261 = arith.constant 4 : i32
    scf.for %scan3A_377 = %scan3A_258 to %scan3A_260 step %scan3A_261  : i32 {
      %mul3A_378 = arith.constant 16 : i32
      %mul3A_379 = arith.muli %scan3A_377, %mul3A_378 : i32
      %get3A_380 = arith.index_cast %mul3A_379 : i32 to index
      %get3A_381 = tpu.vector_load %arg5[%get3A_380] {strides = array<i32>} : memref<8192xf32, #tpu.memory_space<vmem>>, vector<16xf32>,
      %bitcast3A = vector.bitcast %get3A_381 : vector<16xf32> to vector<16xi32>
      %shift_right_logical3A = arith.constant 20 : i32
      %shift_right_logical3A_382 = vector.broadcast %shift_right_logical3A : i32 to vector<16xi32>
      %shift_right_logical3A_383 = arith.shrui %bitcast3A, %shift_right_logical3A_382 : vector<16xi32>
      %and3A = arith.constant 31 : i32
      %and3A_384 = vector.broadcast %and3A : i32 to vector<16xi32>
      %and3A_385 = arith.andi %shift_right_logical3A_383, %and3A_384 : vector<16xi32>
      %broadcast_in_dim3A_386 = arith.constant true
      %broadcast_in_dim3A_387 = vector.broadcast %broadcast_in_dim3A_386 : i1 to vector<16xi1>
      %unique3A_388, %unique3A_389 = tpu.scan_count mask(%broadcast_in_dim3A_387 : vector<16xi1>) value(%and3A_385 : vector<16xi32>) : vector<16xi1>, vector<16xi32>
      %sub3A_390 = vector.broadcast %reduce_min3A_11 : i32 to vector<16xi32>
      %sub3A_391 = arith.subi %unique3A_389, %sub3A_390 : vector<16xi32>
      %add3A_392 = arith.constant 1 : i32
      %add3A_393 = vector.broadcast %add3A_392 : i32 to vector<16xi32>
      %add3A_394 = arith.addi %sub3A_391, %add3A_393 : vector<16xi32>
      tpu.vector_store_idx %arg9[%and3A_385], %add3A_394 masked %unique3A_388 {add = true} : memref<32xi32, #tpu.memory_space<vmem>>[vector<16xi32>], vector<16xi32>, vector<16xi1>
      %scan3A_395 = arith.constant 1 : i32
      %scan3A_396 = arith.addi %scan3A_377, %scan3A_395 : i32
      %mul3A_397 = arith.constant 16 : i32
      %mul3A_398 = arith.muli %scan3A_396, %mul3A_397 : i32
      %get3A_399 = arith.index_cast %mul3A_398 : i32 to index
      %get3A_400 = tpu.vector_load %arg5[%get3A_399] {strides = array<i32>} : memref<8192xf32, #tpu.memory_space<vmem>>, vector<16xf32>,
      %bitcast3A_401 = vector.bitcast %get3A_400 : vector<16xf32> to vector<16xi32>
      %shift_right_logical3A_402 = arith.constant 20 : i32
      %shift_right_logical3A_403 = vector.broadcast %shift_right_logical3A_402 : i32 to vector<16xi32>
      %shift_right_logical3A_404 = arith.shrui %bitcast3A_401, %shift_right_logical3A_403 : vector<16xi32>
      %and3A_405 = arith.constant 31 : i32
      %and3A_406 = vector.broadcast %and3A_405 : i32 to vector<16xi32>
      %and3A_407 = arith.andi %shift_right_logical3A_404, %and3A_406 : vector<16xi32>
      %broadcast_in_dim3A_408 = arith.constant true
      %broadcast_in_dim3A_409 = vector.broadcast %broadcast_in_dim3A_408 : i1 to vector<16xi1>
      %unique3A_410, %unique3A_411 = tpu.scan_count mask(%broadcast_in_dim3A_409 : vector<16xi1>) value(%and3A_407 : vector<16xi32>) : vector<16xi1>, vector<16xi32>
      %sub3A_412 = vector.broadcast %reduce_min3A_11 : i32 to vector<16xi32>
      %sub3A_413 = arith.subi %unique3A_411, %sub3A_412 : vector<16xi32>
      %add3A_414 = arith.constant 1 : i32
      %add3A_415 = vector.broadcast %add3A_414 : i32 to vector<16xi32>
      %add3A_416 = arith.addi %sub3A_413, %add3A_415 : vector<16xi32>
      tpu.vector_store_idx %arg9[%and3A_407], %add3A_416 masked %unique3A_410 {add = true} : memref<32xi32, #tpu.memory_space<vmem>>[vector<16xi32>], vector<16xi32>, vector<16xi1>
      %scan3A_417 = arith.constant 2 : i32
      %scan3A_418 = arith.addi %scan3A_377, %scan3A_417 : i32
      %mul3A_419 = arith.constant 16 : i32
      %mul3A_420 = arith.muli %scan3A_418, %mul3A_419 : i32
      %get3A_421 = arith.index_cast %mul3A_420 : i32 to index
      %get3A_422 = tpu.vector_load %arg5[%get3A_421] {strides = array<i32>} : memref<8192xf32, #tpu.memory_space<vmem>>, vector<16xf32>,
      %bitcast3A_423 = vector.bitcast %get3A_422 : vector<16xf32> to vector<16xi32>
      %shift_right_logical3A_424 = arith.constant 20 : i32
      %shift_right_logical3A_425 = vector.broadcast %shift_right_logical3A_424 : i32 to vector<16xi32>
      %shift_right_logical3A_426 = arith.shrui %bitcast3A_423, %shift_right_logical3A_425 : vector<16xi32>
      %and3A_427 = arith.constant 31 : i32
      %and3A_428 = vector.broadcast %and3A_427 : i32 to vector<16xi32>
      %and3A_429 = arith.andi %shift_right_logical3A_426, %and3A_428 : vector<16xi32>
      %broadcast_in_dim3A_430 = arith.constant true
      %broadcast_in_dim3A_431 = vector.broadcast %broadcast_in_dim3A_430 : i1 to vector<16xi1>
      %unique3A_432, %unique3A_433 = tpu.scan_count mask(%broadcast_in_dim3A_431 : vector<16xi1>) value(%and3A_429 : vector<16xi32>) : vector<16xi1>, vector<16xi32>
      %sub3A_434 = vector.broadcast %reduce_min3A_11 : i32 to vector<16xi32>
      %sub3A_435 = arith.subi %unique3A_433, %sub3A_434 : vector<16xi32>
      %add3A_436 = arith.constant 1 : i32
      %add3A_437 = vector.broadcast %add3A_436 : i32 to vector<16xi32>
      %add3A_438 = arith.addi %sub3A_435, %add3A_437 : vector<16xi32>
      tpu.vector_store_idx %arg9[%and3A_429], %add3A_438 masked %unique3A_432 {add = true} : memref<32xi32, #tpu.memory_space<vmem>>[vector<16xi32>], vector<16xi32>, vector<16xi1>
      %scan3A_439 = arith.constant 3 : i32
      %scan3A_440 = arith.addi %scan3A_377, %scan3A_439 : i32
      %mul3A_441 = arith.constant 16 : i32
      %mul3A_442 = arith.muli %scan3A_440, %mul3A_441 : i32
      %get3A_443 = arith.index_cast %mul3A_442 : i32 to index
      %get3A_444 = tpu.vector_load %arg5[%get3A_443] {strides = array<i32>} : memref<8192xf32, #tpu.memory_space<vmem>>, vector<16xf32>,
      %bitcast3A_445 = vector.bitcast %get3A_444 : vector<16xf32> to vector<16xi32>
      %shift_right_logical3A_446 = arith.constant 20 : i32
      %shift_right_logical3A_447 = vector.broadcast %shift_right_logical3A_446 : i32 to vector<16xi32>
      %shift_right_logical3A_448 = arith.shrui %bitcast3A_445, %shift_right_logical3A_447 : vector<16xi32>
      %and3A_449 = arith.constant 31 : i32
      %and3A_450 = vector.broadcast %and3A_449 : i32 to vector<16xi32>
      %and3A_451 = arith.andi %shift_right_logical3A_448, %and3A_450 : vector<16xi32>
      %broadcast_in_dim3A_452 = arith.constant true
      %broadcast_in_dim3A_453 = vector.broadcast %broadcast_in_dim3A_452 : i1 to vector<16xi1>
      %unique3A_454, %unique3A_455 = tpu.scan_count mask(%broadcast_in_dim3A_453 : vector<16xi1>) value(%and3A_451 : vector<16xi32>) : vector<16xi1>, vector<16xi32>
      %sub3A_456 = vector.broadcast %reduce_min3A_11 : i32 to vector<16xi32>
      %sub3A_457 = arith.subi %unique3A_455, %sub3A_456 : vector<16xi32>
      %add3A_458 = arith.constant 1 : i32
      %add3A_459 = vector.broadcast %add3A_458 : i32 to vector<16xi32>
      %add3A_460 = arith.addi %sub3A_457, %add3A_459 : vector<16xi32>
      tpu.vector_store_idx %arg9[%and3A_451], %add3A_460 masked %unique3A_454 {add = true} : memref<32xi32, #tpu.memory_space<vmem>>[vector<16xi32>], vector<16xi32>, vector<16xi1>
    }
    %scan3A_262 = arith.constant 512 : i32
    %get3A_263 = arith.constant 0 : index
    %get3A_264 = tpu.vector_load %arg9[%get3A_263] {strides = array<i32>} : memref<32xi32, #tpu.memory_space<vmem>>, vector<16xi32>,
    %get3A_265 = arith.constant 16 : index
    %get3A_266 = tpu.vector_load %arg9[%get3A_265] {strides = array<i32>} : memref<32xi32, #tpu.memory_space<vmem>>, vector<16xi32>,
    %rev3A_267 = arith.constant 15 : i32
    %rev3A_268 = vector.broadcast %rev3A_267 : i32 to vector<16xi32>
    %rev3A_269 = tpu.iota {dimensions = array<i32: 0>} : vector<16xi32>
    %rev3A_270 = arith.subi %rev3A_268, %rev3A_269 : vector<16xi32>
    %rev3A_271 = tpu.dynamic_gather %get3A_266[%rev3A_270] in [0] : vector<16xi32>, vector<16xi32> -> vector<16xi32>
    %rev3A_272 = arith.constant 15 : i32
    %rev3A_273 = vector.broadcast %rev3A_272 : i32 to vector<16xi32>
    %rev3A_274 = tpu.iota {dimensions = array<i32: 0>} : vector<16xi32>
    %rev3A_275 = arith.subi %rev3A_273, %rev3A_274 : vector<16xi32>
    %rev3A_276 = tpu.dynamic_gather %get3A_264[%rev3A_275] in [0] : vector<16xi32>, vector<16xi32> -> vector<16xi32>
    %broadcast_in_dim3A_277 = arith.constant true
    %broadcast_in_dim3A_278 = vector.broadcast %broadcast_in_dim3A_277 : i1 to vector<16xi1>
    %masked_cumsum3A_279 = tpu.scan <sum>, %rev3A_271 masked %broadcast_in_dim3A_278 : vector<16xi32>, vector<16xi1> -> vector<16xi32>
    %broadcast_in_dim3A_280 = arith.constant true
    %broadcast_in_dim3A_281 = vector.broadcast %broadcast_in_dim3A_280 : i1 to vector<16xi1>
    %masked_cumsum3A_282 = tpu.scan <sum>, %rev3A_276 masked %broadcast_in_dim3A_281 : vector<16xi32>, vector<16xi1> -> vector<16xi32>
    %reduce_max3A_283 = arith.constant true
    %reduce_max3A_284 = vector.broadcast %reduce_max3A_283 : i1 to vector<16xi1>
    %reduce_max3A_285 = arith.constant -2147483648 : i32
    %reduce_max3A_286 = vector.broadcast %reduce_max3A_285 : i32 to vector<16xi32>
    %reduce_max3A_287 = arith.xori %masked_cumsum3A_279, %reduce_max3A_286 : vector<16xi32>
    %reduce_max3A_288 = tpu.scan <max>, %reduce_max3A_287 masked %reduce_max3A_284 : vector<16xi32>, vector<16xi1> -> vector<16xi32>
    %reduce_max3A_289 = arith.xori %reduce_max3A_288, %reduce_max3A_286 : vector<16xi32>
    %reduce_max3A_290 = vector.extract %reduce_max3A_289[15] : i32 from vector<16xi32>
    %sub3A_291 = arith.subi %masked_cumsum3A_279, %rev3A_271 : vector<16xi32>
    %sub3A_292 = arith.subi %masked_cumsum3A_282, %rev3A_276 : vector<16xi32>
    %add3A_293 = vector.broadcast %reduce_max3A_290 : i32 to vector<16xi32>
    %add3A_294 = arith.addi %sub3A_292, %add3A_293 : vector<16xi32>
    %rev3A_295 = arith.constant 15 : i32
    %rev3A_296 = vector.broadcast %rev3A_295 : i32 to vector<16xi32>
    %rev3A_297 = tpu.iota {dimensions = array<i32: 0>} : vector<16xi32>
    %rev3A_298 = arith.subi %rev3A_296, %rev3A_297 : vector<16xi32>
    %rev3A_299 = tpu.dynamic_gather %add3A_294[%rev3A_298] in [0] : vector<16xi32>, vector<16xi32> -> vector<16xi32>
    %swap3A_300 = arith.constant 0 : index
    %swap3A_301 = tpu.vector_load %arg9[%swap3A_300] {strides = array<i32>} : memref<32xi32, #tpu.memory_space<vmem>>, vector<16xi32>,
    tpu.vector_store %arg9[%swap3A_300], %rev3A_299 {strides = array<i32>} : memref<32xi32, #tpu.memory_space<vmem>>, vector<16xi32>,
    %rev3A_302 = arith.constant 15 : i32
    %rev3A_303 = vector.broadcast %rev3A_302 : i32 to vector<16xi32>
    %rev3A_304 = tpu.iota {dimensions = array<i32: 0>} : vector<16xi32>
    %rev3A_305 = arith.subi %rev3A_303, %rev3A_304 : vector<16xi32>
    %rev3A_306 = tpu.dynamic_gather %sub3A_291[%rev3A_305] in [0] : vector<16xi32>, vector<16xi32> -> vector<16xi32>
    %swap3A_307 = arith.constant 16 : index
    %swap3A_308 = tpu.vector_load %arg9[%swap3A_307] {strides = array<i32>} : memref<32xi32, #tpu.memory_space<vmem>>, vector<16xi32>,
    tpu.vector_store %arg9[%swap3A_307], %rev3A_306 {strides = array<i32>} : memref<32xi32, #tpu.memory_space<vmem>>, vector<16xi32>,
    %scan3A_309 = arith.constant 0 : i32
    %scan3A_310 = arith.constant 0 : i32
    %scan3A_311 = arith.constant 512 : i32
    %scan3A_312 = arith.addi %scan3A_310, %scan3A_311 : i32
    %scan3A_313 = arith.constant 4 : i32
    scf.for %scan3A_377 = %scan3A_310 to %scan3A_312 step %scan3A_313  : i32 {
      %mul3A_378 = arith.constant 16 : i32
      %mul3A_379 = arith.muli %scan3A_377, %mul3A_378 : i32
      %get3A_380 = arith.index_cast %mul3A_379 : i32 to index
      %get3A_381 = tpu.vector_load %arg5[%get3A_380] {strides = array<i32>} : memref<8192xf32, #tpu.memory_space<vmem>>, vector<16xf32>,
      %mul3A_382 = arith.constant 16 : i32
      %mul3A_383 = arith.muli %scan3A_377, %mul3A_382 : i32
      %get3A_384 = arith.index_cast %mul3A_383 : i32 to index
      %get3A_385 = tpu.vector_load %arg7[%get3A_384] {strides = array<i32>} : memref<8192xi32, #tpu.memory_space<vmem>>, vector<16xi32>,
      %bitcast3A = vector.bitcast %get3A_381 : vector<16xf32> to vector<16xi32>
      %shift_right_logical3A = arith.constant 20 : i32
      %shift_right_logical3A_386 = vector.broadcast %shift_right_logical3A : i32 to vector<16xi32>
      %shift_right_logical3A_387 = arith.shrui %bitcast3A, %shift_right_logical3A_386 : vector<16xi32>
      %and3A = arith.constant 31 : i32
      %and3A_388 = vector.broadcast %and3A : i32 to vector<16xi32>
      %and3A_389 = arith.andi %shift_right_logical3A_387, %and3A_388 : vector<16xi32>
      %broadcast_in_dim3A_390 = arith.constant true
      %broadcast_in_dim3A_391 = vector.broadcast %broadcast_in_dim3A_390 : i1 to vector<16xi1>
      %unique3A_392, %unique3A_393 = tpu.scan_count mask(%broadcast_in_dim3A_391 : vector<16xi1>) value(%and3A_389 : vector<16xi32>) : vector<16xi1>, vector<16xi32>
      %sub3A_394 = vector.broadcast %reduce_min3A_11 : i32 to vector<16xi32>
      %sub3A_395 = arith.subi %unique3A_393, %sub3A_394 : vector<16xi32>
      %gather3A = tpu.vector_load_idx %arg9[%and3A_389] : memref<32xi32, #tpu.memory_space<vmem>>[vector<16xi32>], vector<16xi32>,
      %add3A_396 = arith.addi %gather3A, %sub3A_395 : vector<16xi32>
      %add3A_397 = arith.constant 1 : i32
      %add3A_398 = vector.broadcast %add3A_397 : i32 to vector<16xi32>
      %add3A_399 = arith.addi %sub3A_395, %add3A_398 : vector<16xi32>
      tpu.vector_store_idx %arg9[%and3A_389], %add3A_399 masked %unique3A_392 {add = true} : memref<32xi32, #tpu.memory_space<vmem>>[vector<16xi32>], vector<16xi32>, vector<16xi1>
      tpu.vector_store_idx %arg6[%add3A_396], %get3A_381 : memref<8192xf32, #tpu.memory_space<vmem>>[vector<16xi32>], vector<16xf32>,
      tpu.vector_store_idx %arg8[%add3A_396], %get3A_385 : memref<8192xi32, #tpu.memory_space<vmem>>[vector<16xi32>], vector<16xi32>,
      %scan3A_400 = arith.constant 1 : i32
      %scan3A_401 = arith.addi %scan3A_377, %scan3A_400 : i32
      %mul3A_402 = arith.constant 16 : i32
      %mul3A_403 = arith.muli %scan3A_401, %mul3A_402 : i32
      %get3A_404 = arith.index_cast %mul3A_403 : i32 to index
      %get3A_405 = tpu.vector_load %arg5[%get3A_404] {strides = array<i32>} : memref<8192xf32, #tpu.memory_space<vmem>>, vector<16xf32>,
      %mul3A_406 = arith.constant 16 : i32
      %mul3A_407 = arith.muli %scan3A_401, %mul3A_406 : i32
      %get3A_408 = arith.index_cast %mul3A_407 : i32 to index
      %get3A_409 = tpu.vector_load %arg7[%get3A_408] {strides = array<i32>} : memref<8192xi32, #tpu.memory_space<vmem>>, vector<16xi32>,
      %bitcast3A_410 = vector.bitcast %get3A_405 : vector<16xf32> to vector<16xi32>
      %shift_right_logical3A_411 = arith.constant 20 : i32
      %shift_right_logical3A_412 = vector.broadcast %shift_right_logical3A_411 : i32 to vector<16xi32>
      %shift_right_logical3A_413 = arith.shrui %bitcast3A_410, %shift_right_logical3A_412 : vector<16xi32>
      %and3A_414 = arith.constant 31 : i32
      %and3A_415 = vector.broadcast %and3A_414 : i32 to vector<16xi32>
      %and3A_416 = arith.andi %shift_right_logical3A_413, %and3A_415 : vector<16xi32>
      %broadcast_in_dim3A_417 = arith.constant true
      %broadcast_in_dim3A_418 = vector.broadcast %broadcast_in_dim3A_417 : i1 to vector<16xi1>
      %unique3A_419, %unique3A_420 = tpu.scan_count mask(%broadcast_in_dim3A_418 : vector<16xi1>) value(%and3A_416 : vector<16xi32>) : vector<16xi1>, vector<16xi32>
      %sub3A_421 = vector.broadcast %reduce_min3A_11 : i32 to vector<16xi32>
      %sub3A_422 = arith.subi %unique3A_420, %sub3A_421 : vector<16xi32>
      %gather3A_423 = tpu.vector_load_idx %arg9[%and3A_416] : memref<32xi32, #tpu.memory_space<vmem>>[vector<16xi32>], vector<16xi32>,
      %add3A_424 = arith.addi %gather3A_423, %sub3A_422 : vector<16xi32>
      %add3A_425 = arith.constant 1 : i32
      %add3A_426 = vector.broadcast %add3A_425 : i32 to vector<16xi32>
      %add3A_427 = arith.addi %sub3A_422, %add3A_426 : vector<16xi32>
      tpu.vector_store_idx %arg9[%and3A_416], %add3A_427 masked %unique3A_419 {add = true} : memref<32xi32, #tpu.memory_space<vmem>>[vector<16xi32>], vector<16xi32>, vector<16xi1>
      tpu.vector_store_idx %arg6[%add3A_424], %get3A_405 : memref<8192xf32, #tpu.memory_space<vmem>>[vector<16xi32>], vector<16xf32>,
      tpu.vector_store_idx %arg8[%add3A_424], %get3A_409 : memref<8192xi32, #tpu.memory_space<vmem>>[vector<16xi32>], vector<16xi32>,
      %scan3A_428 = arith.constant 2 : i32
      %scan3A_429 = arith.addi %scan3A_377, %scan3A_428 : i32
      %mul3A_430 = arith.constant 16 : i32
      %mul3A_431 = arith.muli %scan3A_429, %mul3A_430 : i32
      %get3A_432 = arith.index_cast %mul3A_431 : i32 to index
      %get3A_433 = tpu.vector_load %arg5[%get3A_432] {strides = array<i32>} : memref<8192xf32, #tpu.memory_space<vmem>>, vector<16xf32>,
      %mul3A_434 = arith.constant 16 : i32
      %mul3A_435 = arith.muli %scan3A_429, %mul3A_434 : i32
      %get3A_436 = arith.index_cast %mul3A_435 : i32 to index
      %get3A_437 = tpu.vector_load %arg7[%get3A_436] {strides = array<i32>} : memref<8192xi32, #tpu.memory_space<vmem>>, vector<16xi32>,
      %bitcast3A_438 = vector.bitcast %get3A_433 : vector<16xf32> to vector<16xi32>
      %shift_right_logical3A_439 = arith.constant 20 : i32
      %shift_right_logical3A_440 = vector.broadcast %shift_right_logical3A_439 : i32 to vector<16xi32>
      %shift_right_logical3A_441 = arith.shrui %bitcast3A_438, %shift_right_logical3A_440 : vector<16xi32>
      %and3A_442 = arith.constant 31 : i32
      %and3A_443 = vector.broadcast %and3A_442 : i32 to vector<16xi32>
      %and3A_444 = arith.andi %shift_right_logical3A_441, %and3A_443 : vector<16xi32>
      %broadcast_in_dim3A_445 = arith.constant true
      %broadcast_in_dim3A_446 = vector.broadcast %broadcast_in_dim3A_445 : i1 to vector<16xi1>
      %unique3A_447, %unique3A_448 = tpu.scan_count mask(%broadcast_in_dim3A_446 : vector<16xi1>) value(%and3A_444 : vector<16xi32>) : vector<16xi1>, vector<16xi32>
      %sub3A_449 = vector.broadcast %reduce_min3A_11 : i32 to vector<16xi32>
      %sub3A_450 = arith.subi %unique3A_448, %sub3A_449 : vector<16xi32>
      %gather3A_451 = tpu.vector_load_idx %arg9[%and3A_444] : memref<32xi32, #tpu.memory_space<vmem>>[vector<16xi32>], vector<16xi32>,
      %add3A_452 = arith.addi %gather3A_451, %sub3A_450 : vector<16xi32>
      %add3A_453 = arith.constant 1 : i32
      %add3A_454 = vector.broadcast %add3A_453 : i32 to vector<16xi32>
      %add3A_455 = arith.addi %sub3A_450, %add3A_454 : vector<16xi32>
      tpu.vector_store_idx %arg9[%and3A_444], %add3A_455 masked %unique3A_447 {add = true} : memref<32xi32, #tpu.memory_space<vmem>>[vector<16xi32>], vector<16xi32>, vector<16xi1>
      tpu.vector_store_idx %arg6[%add3A_452], %get3A_433 : memref<8192xf32, #tpu.memory_space<vmem>>[vector<16xi32>], vector<16xf32>,
      tpu.vector_store_idx %arg8[%add3A_452], %get3A_437 : memref<8192xi32, #tpu.memory_space<vmem>>[vector<16xi32>], vector<16xi32>,
      %scan3A_456 = arith.constant 3 : i32
      %scan3A_457 = arith.addi %scan3A_377, %scan3A_456 : i32
      %mul3A_458 = arith.constant 16 : i32
      %mul3A_459 = arith.muli %scan3A_457, %mul3A_458 : i32
      %get3A_460 = arith.index_cast %mul3A_459 : i32 to index
      %get3A_461 = tpu.vector_load %arg5[%get3A_460] {strides = array<i32>} : memref<8192xf32, #tpu.memory_space<vmem>>, vector<16xf32>,
      %mul3A_462 = arith.constant 16 : i32
      %mul3A_463 = arith.muli %scan3A_457, %mul3A_462 : i32
      %get3A_464 = arith.index_cast %mul3A_463 : i32 to index
      %get3A_465 = tpu.vector_load %arg7[%get3A_464] {strides = array<i32>} : memref<8192xi32, #tpu.memory_space<vmem>>, vector<16xi32>,
      %bitcast3A_466 = vector.bitcast %get3A_461 : vector<16xf32> to vector<16xi32>
      %shift_right_logical3A_467 = arith.constant 20 : i32
      %shift_right_logical3A_468 = vector.broadcast %shift_right_logical3A_467 : i32 to vector<16xi32>
      %shift_right_logical3A_469 = arith.shrui %bitcast3A_466, %shift_right_logical3A_468 : vector<16xi32>
      %and3A_470 = arith.constant 31 : i32
      %and3A_471 = vector.broadcast %and3A_470 : i32 to vector<16xi32>
      %and3A_472 = arith.andi %shift_right_logical3A_469, %and3A_471 : vector<16xi32>
      %broadcast_in_dim3A_473 = arith.constant true
      %broadcast_in_dim3A_474 = vector.broadcast %broadcast_in_dim3A_473 : i1 to vector<16xi1>
      %unique3A_475, %unique3A_476 = tpu.scan_count mask(%broadcast_in_dim3A_474 : vector<16xi1>) value(%and3A_472 : vector<16xi32>) : vector<16xi1>, vector<16xi32>
      %sub3A_477 = vector.broadcast %reduce_min3A_11 : i32 to vector<16xi32>
      %sub3A_478 = arith.subi %unique3A_476, %sub3A_477 : vector<16xi32>
      %gather3A_479 = tpu.vector_load_idx %arg9[%and3A_472] : memref<32xi32, #tpu.memory_space<vmem>>[vector<16xi32>], vector<16xi32>,
      %add3A_480 = arith.addi %gather3A_479, %sub3A_478 : vector<16xi32>
      %add3A_481 = arith.constant 1 : i32
      %add3A_482 = vector.broadcast %add3A_481 : i32 to vector<16xi32>
      %add3A_483 = arith.addi %sub3A_478, %add3A_482 : vector<16xi32>
      tpu.vector_store_idx %arg9[%and3A_472], %add3A_483 masked %unique3A_475 {add = true} : memref<32xi32, #tpu.memory_space<vmem>>[vector<16xi32>], vector<16xi32>, vector<16xi1>
      tpu.vector_store_idx %arg6[%add3A_480], %get3A_461 : memref<8192xf32, #tpu.memory_space<vmem>>[vector<16xi32>], vector<16xf32>,
      tpu.vector_store_idx %arg8[%add3A_480], %get3A_465 : memref<8192xi32, #tpu.memory_space<vmem>>[vector<16xi32>], vector<16xi32>,
    }
    %scan3A_314 = arith.constant 512 : i32
    %swap3A_315 = arith.constant 0 : index
    %swap3A_316 = tpu.vector_load %arg9[%swap3A_315] {strides = array<i32>} : memref<32xi32, #tpu.memory_space<vmem>>, vector<16xi32>,
    tpu.vector_store %arg9[%swap3A_315], %broadcast_in_dim3A_1 {strides = array<i32>} : memref<32xi32, #tpu.memory_space<vmem>>, vector<16xi32>,
    %swap3A_317 = arith.constant 16 : index
    %swap3A_318 = tpu.vector_load %arg9[%swap3A_317] {strides = array<i32>} : memref<32xi32, #tpu.memory_space<vmem>>, vector<16xi32>,
    tpu.vector_store %arg9[%swap3A_317], %broadcast_in_dim3A_1 {strides = array<i32>} : memref<32xi32, #tpu.memory_space<vmem>>, vector<16xi32>,
    %scan3A_319 = arith.constant 0 : i32
    %scan3A_320 = arith.constant 0 : i32
    %scan3A_321 = arith.constant 512 : i32
    %scan3A_322 = arith.addi %scan3A_320, %scan3A_321 : i32
    %scan3A_323 = arith.constant 4 : i32
    scf.for %scan3A_377 = %scan3A_320 to %scan3A_322 step %scan3A_323  : i32 {
      %mul3A_378 = arith.constant 16 : i32
      %mul3A_379 = arith.muli %scan3A_377, %mul3A_378 : i32
      %get3A_380 = arith.index_cast %mul3A_379 : i32 to index
      %get3A_381 = tpu.vector_load %arg6[%get3A_380] {strides = array<i32>} : memref<8192xf32, #tpu.memory_space<vmem>>, vector<16xf32>,
      %bitcast3A = vector.bitcast %get3A_381 : vector<16xf32> to vector<16xi32>
      %shift_right_logical3A = arith.constant 25 : i32
      %shift_right_logical3A_382 = vector.broadcast %shift_right_logical3A : i32 to vector<16xi32>
      %shift_right_logical3A_383 = arith.shrui %bitcast3A, %shift_right_logical3A_382 : vector<16xi32>
      %and3A = arith.constant 31 : i32
      %and3A_384 = vector.broadcast %and3A : i32 to vector<16xi32>
      %and3A_385 = arith.andi %shift_right_logical3A_383, %and3A_384 : vector<16xi32>
      %broadcast_in_dim3A_386 = arith.constant true
      %broadcast_in_dim3A_387 = vector.broadcast %broadcast_in_dim3A_386 : i1 to vector<16xi1>
      %unique3A_388, %unique3A_389 = tpu.scan_count mask(%broadcast_in_dim3A_387 : vector<16xi1>) value(%and3A_385 : vector<16xi32>) : vector<16xi1>, vector<16xi32>
      %sub3A_390 = vector.broadcast %reduce_min3A_11 : i32 to vector<16xi32>
      %sub3A_391 = arith.subi %unique3A_389, %sub3A_390 : vector<16xi32>
      %add3A_392 = arith.constant 1 : i32
      %add3A_393 = vector.broadcast %add3A_392 : i32 to vector<16xi32>
      %add3A_394 = arith.addi %sub3A_391, %add3A_393 : vector<16xi32>
      tpu.vector_store_idx %arg9[%and3A_385], %add3A_394 masked %unique3A_388 {add = true} : memref<32xi32, #tpu.memory_space<vmem>>[vector<16xi32>], vector<16xi32>, vector<16xi1>
      %scan3A_395 = arith.constant 1 : i32
      %scan3A_396 = arith.addi %scan3A_377, %scan3A_395 : i32
      %mul3A_397 = arith.constant 16 : i32
      %mul3A_398 = arith.muli %scan3A_396, %mul3A_397 : i32
      %get3A_399 = arith.index_cast %mul3A_398 : i32 to index
      %get3A_400 = tpu.vector_load %arg6[%get3A_399] {strides = array<i32>} : memref<8192xf32, #tpu.memory_space<vmem>>, vector<16xf32>,
      %bitcast3A_401 = vector.bitcast %get3A_400 : vector<16xf32> to vector<16xi32>
      %shift_right_logical3A_402 = arith.constant 25 : i32
      %shift_right_logical3A_403 = vector.broadcast %shift_right_logical3A_402 : i32 to vector<16xi32>
      %shift_right_logical3A_404 = arith.shrui %bitcast3A_401, %shift_right_logical3A_403 : vector<16xi32>
      %and3A_405 = arith.constant 31 : i32
      %and3A_406 = vector.broadcast %and3A_405 : i32 to vector<16xi32>
      %and3A_407 = arith.andi %shift_right_logical3A_404, %and3A_406 : vector<16xi32>
      %broadcast_in_dim3A_408 = arith.constant true
      %broadcast_in_dim3A_409 = vector.broadcast %broadcast_in_dim3A_408 : i1 to vector<16xi1>
      %unique3A_410, %unique3A_411 = tpu.scan_count mask(%broadcast_in_dim3A_409 : vector<16xi1>) value(%and3A_407 : vector<16xi32>) : vector<16xi1>, vector<16xi32>
      %sub3A_412 = vector.broadcast %reduce_min3A_11 : i32 to vector<16xi32>
      %sub3A_413 = arith.subi %unique3A_411, %sub3A_412 : vector<16xi32>
      %add3A_414 = arith.constant 1 : i32
      %add3A_415 = vector.broadcast %add3A_414 : i32 to vector<16xi32>
      %add3A_416 = arith.addi %sub3A_413, %add3A_415 : vector<16xi32>
      tpu.vector_store_idx %arg9[%and3A_407], %add3A_416 masked %unique3A_410 {add = true} : memref<32xi32, #tpu.memory_space<vmem>>[vector<16xi32>], vector<16xi32>, vector<16xi1>
      %scan3A_417 = arith.constant 2 : i32
      %scan3A_418 = arith.addi %scan3A_377, %scan3A_417 : i32
      %mul3A_419 = arith.constant 16 : i32
      %mul3A_420 = arith.muli %scan3A_418, %mul3A_419 : i32
      %get3A_421 = arith.index_cast %mul3A_420 : i32 to index
      %get3A_422 = tpu.vector_load %arg6[%get3A_421] {strides = array<i32>} : memref<8192xf32, #tpu.memory_space<vmem>>, vector<16xf32>,
      %bitcast3A_423 = vector.bitcast %get3A_422 : vector<16xf32> to vector<16xi32>
      %shift_right_logical3A_424 = arith.constant 25 : i32
      %shift_right_logical3A_425 = vector.broadcast %shift_right_logical3A_424 : i32 to vector<16xi32>
      %shift_right_logical3A_426 = arith.shrui %bitcast3A_423, %shift_right_logical3A_425 : vector<16xi32>
      %and3A_427 = arith.constant 31 : i32
      %and3A_428 = vector.broadcast %and3A_427 : i32 to vector<16xi32>
      %and3A_429 = arith.andi %shift_right_logical3A_426, %and3A_428 : vector<16xi32>
      %broadcast_in_dim3A_430 = arith.constant true
      %broadcast_in_dim3A_431 = vector.broadcast %broadcast_in_dim3A_430 : i1 to vector<16xi1>
      %unique3A_432, %unique3A_433 = tpu.scan_count mask(%broadcast_in_dim3A_431 : vector<16xi1>) value(%and3A_429 : vector<16xi32>) : vector<16xi1>, vector<16xi32>
      %sub3A_434 = vector.broadcast %reduce_min3A_11 : i32 to vector<16xi32>
      %sub3A_435 = arith.subi %unique3A_433, %sub3A_434 : vector<16xi32>
      %add3A_436 = arith.constant 1 : i32
      %add3A_437 = vector.broadcast %add3A_436 : i32 to vector<16xi32>
      %add3A_438 = arith.addi %sub3A_435, %add3A_437 : vector<16xi32>
      tpu.vector_store_idx %arg9[%and3A_429], %add3A_438 masked %unique3A_432 {add = true} : memref<32xi32, #tpu.memory_space<vmem>>[vector<16xi32>], vector<16xi32>, vector<16xi1>
      %scan3A_439 = arith.constant 3 : i32
      %scan3A_440 = arith.addi %scan3A_377, %scan3A_439 : i32
      %mul3A_441 = arith.constant 16 : i32
      %mul3A_442 = arith.muli %scan3A_440, %mul3A_441 : i32
      %get3A_443 = arith.index_cast %mul3A_442 : i32 to index
      %get3A_444 = tpu.vector_load %arg6[%get3A_443] {strides = array<i32>} : memref<8192xf32, #tpu.memory_space<vmem>>, vector<16xf32>,
      %bitcast3A_445 = vector.bitcast %get3A_444 : vector<16xf32> to vector<16xi32>
      %shift_right_logical3A_446 = arith.constant 25 : i32
      %shift_right_logical3A_447 = vector.broadcast %shift_right_logical3A_446 : i32 to vector<16xi32>
      %shift_right_logical3A_448 = arith.shrui %bitcast3A_445, %shift_right_logical3A_447 : vector<16xi32>
      %and3A_449 = arith.constant 31 : i32
      %and3A_450 = vector.broadcast %and3A_449 : i32 to vector<16xi32>
      %and3A_451 = arith.andi %shift_right_logical3A_448, %and3A_450 : vector<16xi32>
      %broadcast_in_dim3A_452 = arith.constant true
      %broadcast_in_dim3A_453 = vector.broadcast %broadcast_in_dim3A_452 : i1 to vector<16xi1>
      %unique3A_454, %unique3A_455 = tpu.scan_count mask(%broadcast_in_dim3A_453 : vector<16xi1>) value(%and3A_451 : vector<16xi32>) : vector<16xi1>, vector<16xi32>
      %sub3A_456 = vector.broadcast %reduce_min3A_11 : i32 to vector<16xi32>
      %sub3A_457 = arith.subi %unique3A_455, %sub3A_456 : vector<16xi32>
      %add3A_458 = arith.constant 1 : i32
      %add3A_459 = vector.broadcast %add3A_458 : i32 to vector<16xi32>
      %add3A_460 = arith.addi %sub3A_457, %add3A_459 : vector<16xi32>
      tpu.vector_store_idx %arg9[%and3A_451], %add3A_460 masked %unique3A_454 {add = true} : memref<32xi32, #tpu.memory_space<vmem>>[vector<16xi32>], vector<16xi32>, vector<16xi1>
    }
    %scan3A_324 = arith.constant 512 : i32
    %get3A_325 = arith.constant 0 : index
    %get3A_326 = tpu.vector_load %arg9[%get3A_325] {strides = array<i32>} : memref<32xi32, #tpu.memory_space<vmem>>, vector<16xi32>,
    %get3A_327 = arith.constant 16 : index
    %get3A_328 = tpu.vector_load %arg9[%get3A_327] {strides = array<i32>} : memref<32xi32, #tpu.memory_space<vmem>>, vector<16xi32>,
    %rev3A_329 = arith.constant 15 : i32
    %rev3A_330 = vector.broadcast %rev3A_329 : i32 to vector<16xi32>
    %rev3A_331 = tpu.iota {dimensions = array<i32: 0>} : vector<16xi32>
    %rev3A_332 = arith.subi %rev3A_330, %rev3A_331 : vector<16xi32>
    %rev3A_333 = tpu.dynamic_gather %get3A_328[%rev3A_332] in [0] : vector<16xi32>, vector<16xi32> -> vector<16xi32>
    %rev3A_334 = arith.constant 15 : i32
    %rev3A_335 = vector.broadcast %rev3A_334 : i32 to vector<16xi32>
    %rev3A_336 = tpu.iota {dimensions = array<i32: 0>} : vector<16xi32>
    %rev3A_337 = arith.subi %rev3A_335, %rev3A_336 : vector<16xi32>
    %rev3A_338 = tpu.dynamic_gather %get3A_326[%rev3A_337] in [0] : vector<16xi32>, vector<16xi32> -> vector<16xi32>
    %broadcast_in_dim3A_339 = arith.constant true
    %broadcast_in_dim3A_340 = vector.broadcast %broadcast_in_dim3A_339 : i1 to vector<16xi1>
    %masked_cumsum3A_341 = tpu.scan <sum>, %rev3A_333 masked %broadcast_in_dim3A_340 : vector<16xi32>, vector<16xi1> -> vector<16xi32>
    %broadcast_in_dim3A_342 = arith.constant true
    %broadcast_in_dim3A_343 = vector.broadcast %broadcast_in_dim3A_342 : i1 to vector<16xi1>
    %masked_cumsum3A_344 = tpu.scan <sum>, %rev3A_338 masked %broadcast_in_dim3A_343 : vector<16xi32>, vector<16xi1> -> vector<16xi32>
    %reduce_max3A_345 = arith.constant true
    %reduce_max3A_346 = vector.broadcast %reduce_max3A_345 : i1 to vector<16xi1>
    %reduce_max3A_347 = arith.constant -2147483648 : i32
    %reduce_max3A_348 = vector.broadcast %reduce_max3A_347 : i32 to vector<16xi32>
    %reduce_max3A_349 = arith.xori %masked_cumsum3A_341, %reduce_max3A_348 : vector<16xi32>
    %reduce_max3A_350 = tpu.scan <max>, %reduce_max3A_349 masked %reduce_max3A_346 : vector<16xi32>, vector<16xi1> -> vector<16xi32>
    %reduce_max3A_351 = arith.xori %reduce_max3A_350, %reduce_max3A_348 : vector<16xi32>
    %reduce_max3A_352 = vector.extract %reduce_max3A_351[15] : i32 from vector<16xi32>
    %sub3A_353 = arith.subi %masked_cumsum3A_341, %rev3A_333 : vector<16xi32>
    %sub3A_354 = arith.subi %masked_cumsum3A_344, %rev3A_338 : vector<16xi32>
    %add3A_355 = vector.broadcast %reduce_max3A_352 : i32 to vector<16xi32>
    %add3A_356 = arith.addi %sub3A_354, %add3A_355 : vector<16xi32>
    %rev3A_357 = arith.constant 15 : i32
    %rev3A_358 = vector.broadcast %rev3A_357 : i32 to vector<16xi32>
    %rev3A_359 = tpu.iota {dimensions = array<i32: 0>} : vector<16xi32>
    %rev3A_360 = arith.subi %rev3A_358, %rev3A_359 : vector<16xi32>
    %rev3A_361 = tpu.dynamic_gather %add3A_356[%rev3A_360] in [0] : vector<16xi32>, vector<16xi32> -> vector<16xi32>
    %swap3A_362 = arith.constant 0 : index
    %swap3A_363 = tpu.vector_load %arg9[%swap3A_362] {strides = array<i32>} : memref<32xi32, #tpu.memory_space<vmem>>, vector<16xi32>,
    tpu.vector_store %arg9[%swap3A_362], %rev3A_361 {strides = array<i32>} : memref<32xi32, #tpu.memory_space<vmem>>, vector<16xi32>,
    %rev3A_364 = arith.constant 15 : i32
    %rev3A_365 = vector.broadcast %rev3A_364 : i32 to vector<16xi32>
    %rev3A_366 = tpu.iota {dimensions = array<i32: 0>} : vector<16xi32>
    %rev3A_367 = arith.subi %rev3A_365, %rev3A_366 : vector<16xi32>
    %rev3A_368 = tpu.dynamic_gather %sub3A_353[%rev3A_367] in [0] : vector<16xi32>, vector<16xi32> -> vector<16xi32>
    %swap3A_369 = arith.constant 16 : index
    %swap3A_370 = tpu.vector_load %arg9[%swap3A_369] {strides = array<i32>} : memref<32xi32, #tpu.memory_space<vmem>>, vector<16xi32>,
    tpu.vector_store %arg9[%swap3A_369], %rev3A_368 {strides = array<i32>} : memref<32xi32, #tpu.memory_space<vmem>>, vector<16xi32>,
    %scan3A_371 = arith.constant 0 : i32
    %scan3A_372 = arith.constant 0 : i32
    %scan3A_373 = arith.constant 512 : i32
    %scan3A_374 = arith.addi %scan3A_372, %scan3A_373 : i32
    %scan3A_375 = arith.constant 4 : i32
    scf.for %scan3A_377 = %scan3A_372 to %scan3A_374 step %scan3A_375  : i32 {
      %mul3A_378 = arith.constant 16 : i32
      %mul3A_379 = arith.muli %scan3A_377, %mul3A_378 : i32
      %get3A_380 = arith.index_cast %mul3A_379 : i32 to index
      %get3A_381 = tpu.vector_load %arg6[%get3A_380] {strides = array<i32>} : memref<8192xf32, #tpu.memory_space<vmem>>, vector<16xf32>,
      %mul3A_382 = arith.constant 16 : i32
      %mul3A_383 = arith.muli %scan3A_377, %mul3A_382 : i32
      %get3A_384 = arith.index_cast %mul3A_383 : i32 to index
      %get3A_385 = tpu.vector_load %arg8[%get3A_384] {strides = array<i32>} : memref<8192xi32, #tpu.memory_space<vmem>>, vector<16xi32>,
      %bitcast3A = vector.bitcast %get3A_381 : vector<16xf32> to vector<16xi32>
      %shift_right_logical3A = arith.constant 25 : i32
      %shift_right_logical3A_386 = vector.broadcast %shift_right_logical3A : i32 to vector<16xi32>
      %shift_right_logical3A_387 = arith.shrui %bitcast3A, %shift_right_logical3A_386 : vector<16xi32>
      %and3A = arith.constant 31 : i32
      %and3A_388 = vector.broadcast %and3A : i32 to vector<16xi32>
      %and3A_389 = arith.andi %shift_right_logical3A_387, %and3A_388 : vector<16xi32>
      %broadcast_in_dim3A_390 = arith.constant true
      %broadcast_in_dim3A_391 = vector.broadcast %broadcast_in_dim3A_390 : i1 to vector<16xi1>
      %unique3A_392, %unique3A_393 = tpu.scan_count mask(%broadcast_in_dim3A_391 : vector<16xi1>) value(%and3A_389 : vector<16xi32>) : vector<16xi1>, vector<16xi32>
      %sub3A_394 = vector.broadcast %reduce_min3A_11 : i32 to vector<16xi32>
      %sub3A_395 = arith.subi %unique3A_393, %sub3A_394 : vector<16xi32>
      %gather3A = tpu.vector_load_idx %arg9[%and3A_389] : memref<32xi32, #tpu.memory_space<vmem>>[vector<16xi32>], vector<16xi32>,
      %add3A_396 = arith.addi %gather3A, %sub3A_395 : vector<16xi32>
      %add3A_397 = arith.constant 1 : i32
      %add3A_398 = vector.broadcast %add3A_397 : i32 to vector<16xi32>
      %add3A_399 = arith.addi %sub3A_395, %add3A_398 : vector<16xi32>
      tpu.vector_store_idx %arg9[%and3A_389], %add3A_399 masked %unique3A_392 {add = true} : memref<32xi32, #tpu.memory_space<vmem>>[vector<16xi32>], vector<16xi32>, vector<16xi1>
      tpu.vector_store_idx %arg5[%add3A_396], %get3A_381 : memref<8192xf32, #tpu.memory_space<vmem>>[vector<16xi32>], vector<16xf32>,
      tpu.vector_store_idx %arg7[%add3A_396], %get3A_385 : memref<8192xi32, #tpu.memory_space<vmem>>[vector<16xi32>], vector<16xi32>,
      %scan3A_400 = arith.constant 1 : i32
      %scan3A_401 = arith.addi %scan3A_377, %scan3A_400 : i32
      %mul3A_402 = arith.constant 16 : i32
      %mul3A_403 = arith.muli %scan3A_401, %mul3A_402 : i32
      %get3A_404 = arith.index_cast %mul3A_403 : i32 to index
      %get3A_405 = tpu.vector_load %arg6[%get3A_404] {strides = array<i32>} : memref<8192xf32, #tpu.memory_space<vmem>>, vector<16xf32>,
      %mul3A_406 = arith.constant 16 : i32
      %mul3A_407 = arith.muli %scan3A_401, %mul3A_406 : i32
      %get3A_408 = arith.index_cast %mul3A_407 : i32 to index
      %get3A_409 = tpu.vector_load %arg8[%get3A_408] {strides = array<i32>} : memref<8192xi32, #tpu.memory_space<vmem>>, vector<16xi32>,
      %bitcast3A_410 = vector.bitcast %get3A_405 : vector<16xf32> to vector<16xi32>
      %shift_right_logical3A_411 = arith.constant 25 : i32
      %shift_right_logical3A_412 = vector.broadcast %shift_right_logical3A_411 : i32 to vector<16xi32>
      %shift_right_logical3A_413 = arith.shrui %bitcast3A_410, %shift_right_logical3A_412 : vector<16xi32>
      %and3A_414 = arith.constant 31 : i32
      %and3A_415 = vector.broadcast %and3A_414 : i32 to vector<16xi32>
      %and3A_416 = arith.andi %shift_right_logical3A_413, %and3A_415 : vector<16xi32>
      %broadcast_in_dim3A_417 = arith.constant true
      %broadcast_in_dim3A_418 = vector.broadcast %broadcast_in_dim3A_417 : i1 to vector<16xi1>
      %unique3A_419, %unique3A_420 = tpu.scan_count mask(%broadcast_in_dim3A_418 : vector<16xi1>) value(%and3A_416 : vector<16xi32>) : vector<16xi1>, vector<16xi32>
      %sub3A_421 = vector.broadcast %reduce_min3A_11 : i32 to vector<16xi32>
      %sub3A_422 = arith.subi %unique3A_420, %sub3A_421 : vector<16xi32>
      %gather3A_423 = tpu.vector_load_idx %arg9[%and3A_416] : memref<32xi32, #tpu.memory_space<vmem>>[vector<16xi32>], vector<16xi32>,
      %add3A_424 = arith.addi %gather3A_423, %sub3A_422 : vector<16xi32>
      %add3A_425 = arith.constant 1 : i32
      %add3A_426 = vector.broadcast %add3A_425 : i32 to vector<16xi32>
      %add3A_427 = arith.addi %sub3A_422, %add3A_426 : vector<16xi32>
      tpu.vector_store_idx %arg9[%and3A_416], %add3A_427 masked %unique3A_419 {add = true} : memref<32xi32, #tpu.memory_space<vmem>>[vector<16xi32>], vector<16xi32>, vector<16xi1>
      tpu.vector_store_idx %arg5[%add3A_424], %get3A_405 : memref<8192xf32, #tpu.memory_space<vmem>>[vector<16xi32>], vector<16xf32>,
      tpu.vector_store_idx %arg7[%add3A_424], %get3A_409 : memref<8192xi32, #tpu.memory_space<vmem>>[vector<16xi32>], vector<16xi32>,
      %scan3A_428 = arith.constant 2 : i32
      %scan3A_429 = arith.addi %scan3A_377, %scan3A_428 : i32
      %mul3A_430 = arith.constant 16 : i32
      %mul3A_431 = arith.muli %scan3A_429, %mul3A_430 : i32
      %get3A_432 = arith.index_cast %mul3A_431 : i32 to index
      %get3A_433 = tpu.vector_load %arg6[%get3A_432] {strides = array<i32>} : memref<8192xf32, #tpu.memory_space<vmem>>, vector<16xf32>,
      %mul3A_434 = arith.constant 16 : i32
      %mul3A_435 = arith.muli %scan3A_429, %mul3A_434 : i32
      %get3A_436 = arith.index_cast %mul3A_435 : i32 to index
      %get3A_437 = tpu.vector_load %arg8[%get3A_436] {strides = array<i32>} : memref<8192xi32, #tpu.memory_space<vmem>>, vector<16xi32>,
      %bitcast3A_438 = vector.bitcast %get3A_433 : vector<16xf32> to vector<16xi32>
      %shift_right_logical3A_439 = arith.constant 25 : i32
      %shift_right_logical3A_440 = vector.broadcast %shift_right_logical3A_439 : i32 to vector<16xi32>
      %shift_right_logical3A_441 = arith.shrui %bitcast3A_438, %shift_right_logical3A_440 : vector<16xi32>
      %and3A_442 = arith.constant 31 : i32
      %and3A_443 = vector.broadcast %and3A_442 : i32 to vector<16xi32>
      %and3A_444 = arith.andi %shift_right_logical3A_441, %and3A_443 : vector<16xi32>
      %broadcast_in_dim3A_445 = arith.constant true
      %broadcast_in_dim3A_446 = vector.broadcast %broadcast_in_dim3A_445 : i1 to vector<16xi1>
      %unique3A_447, %unique3A_448 = tpu.scan_count mask(%broadcast_in_dim3A_446 : vector<16xi1>) value(%and3A_444 : vector<16xi32>) : vector<16xi1>, vector<16xi32>
      %sub3A_449 = vector.broadcast %reduce_min3A_11 : i32 to vector<16xi32>
      %sub3A_450 = arith.subi %unique3A_448, %sub3A_449 : vector<16xi32>
      %gather3A_451 = tpu.vector_load_idx %arg9[%and3A_444] : memref<32xi32, #tpu.memory_space<vmem>>[vector<16xi32>], vector<16xi32>,
      %add3A_452 = arith.addi %gather3A_451, %sub3A_450 : vector<16xi32>
      %add3A_453 = arith.constant 1 : i32
      %add3A_454 = vector.broadcast %add3A_453 : i32 to vector<16xi32>
      %add3A_455 = arith.addi %sub3A_450, %add3A_454 : vector<16xi32>
      tpu.vector_store_idx %arg9[%and3A_444], %add3A_455 masked %unique3A_447 {add = true} : memref<32xi32, #tpu.memory_space<vmem>>[vector<16xi32>], vector<16xi32>, vector<16xi1>
      tpu.vector_store_idx %arg5[%add3A_452], %get3A_433 : memref<8192xf32, #tpu.memory_space<vmem>>[vector<16xi32>], vector<16xf32>,
      tpu.vector_store_idx %arg7[%add3A_452], %get3A_437 : memref<8192xi32, #tpu.memory_space<vmem>>[vector<16xi32>], vector<16xi32>,
      %scan3A_456 = arith.constant 3 : i32
      %scan3A_457 = arith.addi %scan3A_377, %scan3A_456 : i32
      %mul3A_458 = arith.constant 16 : i32
      %mul3A_459 = arith.muli %scan3A_457, %mul3A_458 : i32
      %get3A_460 = arith.index_cast %mul3A_459 : i32 to index
      %get3A_461 = tpu.vector_load %arg6[%get3A_460] {strides = array<i32>} : memref<8192xf32, #tpu.memory_space<vmem>>, vector<16xf32>,
      %mul3A_462 = arith.constant 16 : i32
      %mul3A_463 = arith.muli %scan3A_457, %mul3A_462 : i32
      %get3A_464 = arith.index_cast %mul3A_463 : i32 to index
      %get3A_465 = tpu.vector_load %arg8[%get3A_464] {strides = array<i32>} : memref<8192xi32, #tpu.memory_space<vmem>>, vector<16xi32>,
      %bitcast3A_466 = vector.bitcast %get3A_461 : vector<16xf32> to vector<16xi32>
      %shift_right_logical3A_467 = arith.constant 25 : i32
      %shift_right_logical3A_468 = vector.broadcast %shift_right_logical3A_467 : i32 to vector<16xi32>
      %shift_right_logical3A_469 = arith.shrui %bitcast3A_466, %shift_right_logical3A_468 : vector<16xi32>
      %and3A_470 = arith.constant 31 : i32
      %and3A_471 = vector.broadcast %and3A_470 : i32 to vector<16xi32>
      %and3A_472 = arith.andi %shift_right_logical3A_469, %and3A_471 : vector<16xi32>
      %broadcast_in_dim3A_473 = arith.constant true
      %broadcast_in_dim3A_474 = vector.broadcast %broadcast_in_dim3A_473 : i1 to vector<16xi1>
      %unique3A_475, %unique3A_476 = tpu.scan_count mask(%broadcast_in_dim3A_474 : vector<16xi1>) value(%and3A_472 : vector<16xi32>) : vector<16xi1>, vector<16xi32>
      %sub3A_477 = vector.broadcast %reduce_min3A_11 : i32 to vector<16xi32>
      %sub3A_478 = arith.subi %unique3A_476, %sub3A_477 : vector<16xi32>
      %gather3A_479 = tpu.vector_load_idx %arg9[%and3A_472] : memref<32xi32, #tpu.memory_space<vmem>>[vector<16xi32>], vector<16xi32>,
      %add3A_480 = arith.addi %gather3A_479, %sub3A_478 : vector<16xi32>
      %add3A_481 = arith.constant 1 : i32
      %add3A_482 = vector.broadcast %add3A_481 : i32 to vector<16xi32>
      %add3A_483 = arith.addi %sub3A_478, %add3A_482 : vector<16xi32>
      tpu.vector_store_idx %arg9[%and3A_472], %add3A_483 masked %unique3A_475 {add = true} : memref<32xi32, #tpu.memory_space<vmem>>[vector<16xi32>], vector<16xi32>, vector<16xi1>
      tpu.vector_store_idx %arg5[%add3A_480], %get3A_461 : memref<8192xf32, #tpu.memory_space<vmem>>[vector<16xi32>], vector<16xf32>,
      tpu.vector_store_idx %arg7[%add3A_480], %get3A_465 : memref<8192xi32, #tpu.memory_space<vmem>>[vector<16xi32>], vector<16xi32>,
    }
    %scan3A_376 = arith.constant 512 : i32
    "tpu.region"() ({
      %run_scoped3A = tpu.sem_alloc : memref<!tpu.dma_semaphore, #tpu.memory_space<semaphore_mem>>
      %dma_start3A = arith.constant 0 : i32
      %dma_start3A_377 = tpu.memref_slice %arg5[%dma_start3A] : memref<8192xf32, #tpu.memory_space<vmem>> -> memref<5120xf32, #tpu.memory_space<vmem>>
      %dma_start3A_378 = arith.constant 0 : i32
      %dma_start3A_379 = tpu.memref_slice %arg3[%add3A, %dma_start3A_378] : memref<32x5120xf32, #tpu.memory_space<hbm>> -> memref<1x5120xf32, #tpu.memory_space<hbm>>
      %dma_start3A_380 = tpu.memref_squeeze %dma_start3A_379 : memref<1x5120xf32, #tpu.memory_space<hbm>> -> memref<5120xf32, #tpu.memory_space<hbm>>
      %dma_start3A_381 = arith.constant 0 : i32
      %dma_start3A_382 = tpu.memref_slice %arg3[%add3A, %dma_start3A_381] : memref<32x5120xf32, #tpu.memory_space<hbm>> -> memref<1x5120xf32, #tpu.memory_space<hbm>>
      %dma_start3A_383 = tpu.memref_squeeze %dma_start3A_382 : memref<1x5120xf32, #tpu.memory_space<hbm>> -> memref<5120xf32, #tpu.memory_space<hbm>>
      %dma_start3A_384 = arith.constant 0 : i32
      %dma_start3A_385 = tpu.memref_slice %arg5[%dma_start3A_384] : memref<8192xf32, #tpu.memory_space<vmem>> -> memref<5120xf32, #tpu.memory_space<vmem>>
      tpu.enqueue_dma source(%dma_start3A_385 : memref<5120xf32, #tpu.memory_space<vmem>>) target(%dma_start3A_383 : memref<5120xf32, #tpu.memory_space<hbm>>) target_semaphore(%run_scoped3A : memref<!tpu.dma_semaphore, #tpu.memory_space<semaphore_mem>>)
      %dma_wait3A = arith.constant 0 : i32
      %dma_wait3A_386 = tpu.memref_slice %arg5[%dma_wait3A] : memref<8192xf32, #tpu.memory_space<vmem>> -> memref<5120xf32, #tpu.memory_space<vmem>>
      %dma_wait3A_387 = arith.constant 0 : i32
      %dma_wait3A_388 = tpu.memref_slice %arg3[%add3A, %dma_wait3A_387] : memref<32x5120xf32, #tpu.memory_space<hbm>> -> memref<1x5120xf32, #tpu.memory_space<hbm>>
      %dma_wait3A_389 = tpu.memref_squeeze %dma_wait3A_388 : memref<1x5120xf32, #tpu.memory_space<hbm>> -> memref<5120xf32, #tpu.memory_space<hbm>>
      %dma_wait3A_390 = arith.constant 0 : i32
      %dma_wait3A_391 = tpu.memref_slice %arg3[%add3A, %dma_wait3A_390] : memref<32x5120xf32, #tpu.memory_space<hbm>> -> memref<1x5120xf32, #tpu.memory_space<hbm>>
      %dma_wait3A_392 = tpu.memref_squeeze %dma_wait3A_391 : memref<1x5120xf32, #tpu.memory_space<hbm>> -> memref<5120xf32, #tpu.memory_space<hbm>>
      %dma_wait3A_393 = arith.constant 0 : i32
      %dma_wait3A_394 = tpu.memref_slice %arg5[%dma_wait3A_393] : memref<8192xf32, #tpu.memory_space<vmem>> -> memref<5120xf32, #tpu.memory_space<vmem>>
      tpu.wait_dma2 semaphore(%run_scoped3A : memref<!tpu.dma_semaphore, #tpu.memory_space<semaphore_mem>>) src(%dma_wait3A_394 : memref<5120xf32, #tpu.memory_space<vmem>>) dst(%dma_wait3A_392 : memref<5120xf32, #tpu.memory_space<hbm>>)
      tpu.yield
    }) : () -> ()
    "tpu.region"() ({
      %run_scoped3A = tpu.sem_alloc : memref<!tpu.dma_semaphore, #tpu.memory_space<semaphore_mem>>
      %dma_start3A = arith.constant 0 : i32
      %dma_start3A_377 = tpu.memref_slice %arg7[%dma_start3A] : memref<8192xi32, #tpu.memory_space<vmem>> -> memref<5120xi32, #tpu.memory_space<vmem>>
      %dma_start3A_378 = arith.constant 0 : i32
      %dma_start3A_379 = tpu.memref_slice %arg4[%add3A, %dma_start3A_378] : memref<32x5120xi32, #tpu.memory_space<hbm>> -> memref<1x5120xi32, #tpu.memory_space<hbm>>
      %dma_start3A_380 = tpu.memref_squeeze %dma_start3A_379 : memref<1x5120xi32, #tpu.memory_space<hbm>> -> memref<5120xi32, #tpu.memory_space<hbm>>
      %dma_start3A_381 = arith.constant 0 : i32
      %dma_start3A_382 = tpu.memref_slice %arg4[%add3A, %dma_start3A_381] : memref<32x5120xi32, #tpu.memory_space<hbm>> -> memref<1x5120xi32, #tpu.memory_space<hbm>>
      %dma_start3A_383 = tpu.memref_squeeze %dma_start3A_382 : memref<1x5120xi32, #tpu.memory_space<hbm>> -> memref<5120xi32, #tpu.memory_space<hbm>>
      %dma_start3A_384 = arith.constant 0 : i32
      %dma_start3A_385 = tpu.memref_slice %arg7[%dma_start3A_384] : memref<8192xi32, #tpu.memory_space<vmem>> -> memref<5120xi32, #tpu.memory_space<vmem>>
      tpu.enqueue_dma source(%dma_start3A_385 : memref<5120xi32, #tpu.memory_space<vmem>>) target(%dma_start3A_383 : memref<5120xi32, #tpu.memory_space<hbm>>) target_semaphore(%run_scoped3A : memref<!tpu.dma_semaphore, #tpu.memory_space<semaphore_mem>>)
      %dma_wait3A = arith.constant 0 : i32
      %dma_wait3A_386 = tpu.memref_slice %arg7[%dma_wait3A] : memref<8192xi32, #tpu.memory_space<vmem>> -> memref<5120xi32, #tpu.memory_space<vmem>>
      %dma_wait3A_387 = arith.constant 0 : i32
      %dma_wait3A_388 = tpu.memref_slice %arg4[%add3A, %dma_wait3A_387] : memref<32x5120xi32, #tpu.memory_space<hbm>> -> memref<1x5120xi32, #tpu.memory_space<hbm>>
      %dma_wait3A_389 = tpu.memref_squeeze %dma_wait3A_388 : memref<1x5120xi32, #tpu.memory_space<hbm>> -> memref<5120xi32, #tpu.memory_space<hbm>>
      %dma_wait3A_390 = arith.constant 0 : i32
      %dma_wait3A_391 = tpu.memref_slice %arg4[%add3A, %dma_wait3A_390] : memref<32x5120xi32, #tpu.memory_space<hbm>> -> memref<1x5120xi32, #tpu.memory_space<hbm>>
      %dma_wait3A_392 = tpu.memref_squeeze %dma_wait3A_391 : memref<1x5120xi32, #tpu.memory_space<hbm>> -> memref<5120xi32, #tpu.memory_space<hbm>>
      %dma_wait3A_393 = arith.constant 0 : i32
      %dma_wait3A_394 = tpu.memref_slice %arg7[%dma_wait3A_393] : memref<8192xi32, #tpu.memory_space<vmem>> -> memref<5120xi32, #tpu.memory_space<vmem>>
      tpu.wait_dma2 semaphore(%run_scoped3A : memref<!tpu.dma_semaphore, #tpu.memory_space<semaphore_mem>>) src(%dma_wait3A_394 : memref<5120xi32, #tpu.memory_space<vmem>>) dst(%dma_wait3A_392 : memref<5120xi32, #tpu.memory_space<hbm>>)
      tpu.yield
    }) : () -> ()
    return
  }
}

module attributes {stable_mosaic.version = 14 : i64} {
  func.func @_softmax_body(%arg0: i32, %arg1: i32, %arg2: memref<1x2048x1024xf32, #tpu.memory_space<vmem>>, %arg3: memref<8x1024xf32, #tpu.memory_space<vmem>>, %arg4: memref<8x1xf32, #tpu.memory_space<vmem>>, %arg5: memref<1x8x2048xf32, #tpu.memory_space<vmem>>) attributes {dimension_semantics = [#tpu.dimension_semantics<arbitrary>, #tpu.dimension_semantics<arbitrary>], iteration_bounds = array<i64: 4, 4>, scalar_prefetch = 0 : i64, scratch_operands = 0 : i64, tpu.core_type = #tpu.core_type<tc>, window_params = [{transform_indices = @transform_0, window_bounds = array<i64: 1, 2048, 1024>}, {pipeline_mode = #tpu.pipeline_mode<synchronous>, transform_indices = @transform_1, window_bounds = array<i64: 8, 1024>}, {pipeline_mode = #tpu.pipeline_mode<synchronous>, transform_indices = @transform_2, window_bounds = array<i64: 8, 1>}, {transform_indices = @transform_3, window_bounds = array<i64: 1, 8, 2048>}]} {
    %get3A = arith.constant 0 : index
    %get3A_0 = arith.constant 0 : index
    %get3A_1 = arith.constant 0 : index
    %get3A_2 = vector.load %arg2[%get3A, %get3A_0, %get3A_1] : memref<1x2048x1024xf32, #tpu.memory_space<vmem>>, vector<1x2048x1024xf32>
    %get3A_3 = vector.shape_cast %get3A_2 : vector<1x2048x1024xf32> to vector<2048x1024xf32>
    %get3A_4 = arith.constant 0 : index
    %get3A_5 = arith.constant 0 : index
    %get3A_6 = vector.load %arg3[%get3A_4, %get3A_5] : memref<8x1024xf32, #tpu.memory_space<vmem>>, vector<8x1024xf32>
    %dot_general3A = arith.constant dense<0.000000e+00> : vector<8x2048xf32>
    %dot_general3A_7 = tpu.matmul %get3A_6, %get3A_3, %dot_general3A {dimension_numbers = #tpu.dot_dimension_numbers<[1], [1], [0], [0], [0, 0, 1, 0], [], []>, transpose_lhs_hint = false} : vector<8x1024xf32>, vector<2048x1024xf32>, vector<8x2048xf32> -> vector<8x2048xf32>
    %get3A_8 = arith.constant 0 : index
    %get3A_9 = arith.constant 0 : index
    %get3A_10 = vector.load %arg4[%get3A_8, %get3A_9] : memref<8x1xf32, #tpu.memory_space<vmem>>, vector<8x1xf32>
    %add3A = vector.broadcast %get3A_10 : vector<8x1xf32> to vector<8x2048xf32>
    %add3A_11 = arith.addf %dot_general3A_7, %add3A : vector<8x2048xf32>
    %reduce_max3A = arith.constant dense<0xFF800000> : vector<2048xf32>
    %reduce_max3A_12 = vector.multi_reduction <maximumf>, %add3A_11, %reduce_max3A [0] : vector<8x2048xf32> to vector<2048xf32>
    %broadcast_in_dim3A = vector.shape_cast %reduce_max3A_12 : vector<2048xf32> to vector<1x2048xf32>
    %sub3A = vector.broadcast %broadcast_in_dim3A : vector<1x2048xf32> to vector<8x2048xf32>
    %sub3A_13 = arith.subf %add3A_11, %sub3A : vector<8x2048xf32>
    %exp3A = math.exp %sub3A_13 : vector<8x2048xf32>
    %reduce_sum3A = arith.constant dense<0.000000e+00> : vector<2048xf32>
    %reduce_sum3A_14 = vector.multi_reduction <add>, %exp3A, %reduce_sum3A [0] : vector<8x2048xf32> to vector<2048xf32>
    %broadcast_in_dim3A_15 = vector.shape_cast %reduce_sum3A_14 : vector<2048xf32> to vector<1x2048xf32>
    %div3A = vector.broadcast %broadcast_in_dim3A_15 : vector<1x2048xf32> to vector<8x2048xf32>
    %div3A_16 = arith.divf %exp3A, %div3A : vector<8x2048xf32>
    %swap3A = arith.constant 0 : index
    %swap3A_17 = arith.constant 0 : index
    %swap3A_18 = arith.constant 0 : index
    %swap3A_19 = vector.load %arg5[%swap3A, %swap3A_17, %swap3A_18] : memref<1x8x2048xf32, #tpu.memory_space<vmem>>, vector<1x8x2048xf32>
    %swap3A_20 = vector.shape_cast %swap3A_19 : vector<1x8x2048xf32> to vector<8x2048xf32>
    %swap3A_21 = vector.shape_cast %div3A_16 : vector<8x2048xf32> to vector<1x8x2048xf32>
    tpu.vector_store %arg5[%swap3A, %swap3A_17, %swap3A_18], %swap3A_21 {strides = array<i32>} : memref<1x8x2048xf32, #tpu.memory_space<vmem>>, vector<1x8x2048xf32>,
    return
  }
  func.func @transform_0(%arg0: i32, %arg1: i32) -> (i32, i32, i32) {
    %c0_i32 = arith.constant 0 : i32
    %c0_i32_0 = arith.constant 0 : i32
    return %arg0, %arg1, %c0_i32 : i32, i32, i32
  }
  func.func @transform_1(%arg0: i32, %arg1: i32) -> (i32, i32) {
    %c0_i32 = arith.constant 0 : i32
    %c0_i32_0 = arith.constant 0 : i32
    %c0_i32_1 = arith.constant 0 : i32
    return %c0_i32, %c0_i32_0 : i32, i32
  }
  func.func @transform_2(%arg0: i32, %arg1: i32) -> (i32, i32) {
    %c0_i32 = arith.constant 0 : i32
    %c0_i32_0 = arith.constant 0 : i32
    %c0_i32_1 = arith.constant 0 : i32
    return %c0_i32, %c0_i32_0 : i32, i32
  }
  func.func @transform_3(%arg0: i32, %arg1: i32) -> (i32, i32, i32) {
    %c0_i32 = arith.constant 0 : i32
    %c0_i32_0 = arith.constant 0 : i32
    return %arg0, %c0_i32, %arg1 : i32, i32, i32
  }
}

</mosaic_0001>

<sc_bundles>
// kernel: kernel.4.cloned.1.call-start
scs
__scs_entry_jumppad:
0x0: {  	(pc) =	sbr.rel $0x88, $3  }
0x1: {  	(tag) =	ssettag $0x0;
	lr =	simm.s32 $0x1  }
0x2: {  	[smem:$0x3F9E] =	sst lr;
	_ =	strace $0xD0000000  }
0x3: {  	_ = 	snop  }
0x4: {  	_ = 	snop  }
0x5: {  	_ = 	snop  }
0x6: {  	_ = 	snop  }
0x7: {  	_ = 	snop  }
__scs_overlays_trampoline_lowered:
0x8: {  	[smem:$0x3FAD] =	sst s0  }
0x9: {  	[smem:$0x3FAE] =	sst s1  }
0xa: {  	[smem:$0x3FAF] =	sst s2  }
0xb: {  	[smem:$0x3FB0] =	sst s3  }
0xc: {  	[smem:$0x3FB1] =	sst s4  }
0xd: {  	[smem:$0x3FB2] =	sst s5  }
0xe: {  	[smem:$0x3FB3] =	sst s6  }
0xf: {  	[smem:$0x3FB4] =	sst s7  }
0x10: {  	[smem:$0x3FB5] =	sst s8  }
0x11: {  	[smem:$0x3FB6] =	sst s9;
	s0 =	simm.s32 @!p0 $0x0  }
0x12: {  	s1 =	sld [smem:$0x3F9C];
	s0 =	simm.s32 @p0 $0x1  }
0x13: {  	[smem:$0x3FB7] =	sst s0;
	s0 =	simm.s32 @!p1 $0x0  }
0x14: {  	s2 =	sld [smem:$0x3F9B];
	s0 =	simm.s32 @p1 $0x1  }
0x15: {  	[smem:$0x3FB8] =	sst s0;
	s0 =	simm.s32 @!p2 $0x0  }
0x16: {  	s3 =	sld [smem:$0x3FDB];
	s0 =	simm.s32 @p2 $0x1  }
0x17: {  	s4 =	simm.s32 $0x1BF5;
	[smem:$0x3FBA] =	sst s0  }
0x18: {  	s0 =	sld [smem:$0x3F9D];
	_ =	swait.ge [sflag:s4], $0x0  }
0x19: {  	s7 =	sld [smem:$0x3F9E]  }
0x1a: {  	s8 =	sadd.s32 $0xFFFFE003, lr  }
0x1b: {  	s9 =	sadd.s32 $0xFFFFFEF7, lr;
	s5 =	simm.s32 $0xFFFFFFFF;
	p2 =	slt.u32 s8, $0xFFFFF086  }
0x1c: {  	p1 =	slt.u32 s9, $0xF7A;
	s5 =	simm.s32 @!p2 $0x0  }
0x1d: {  	s5 =	simm.s32 @p1 $0x1;
	p0 =	seq.s32 s7, s2  }
0x1e: {  	s7 =	smul.u32 @!p0 $0xF7A, s2;
	p2 =	seq.s32 @!p0 s5, $0x0  }
0x1f: {  	s9 =	smul.u32 $0xF7A, s1;
	s8 =	simm.s32 @!p0 $0x1BF5;
	p2 =	por !p2, p0  }
0x20: {  	[sflag:s8] =	ssyncset.s32 @!p0 $0xFFFFF086;
	s6 =	sadd.s32 @!p0 s3, s7;
	s7 =	simm.s32 @!p0 $0x108  }
0x21: {  	s3 =	sadd.s32 s3, s9;
	s6 =	sadd.s32 @!p0 $0x88, s6;
	s7 =	simm.s32 @p2 $0x1082  }
0x22: {  	[simem:s7], [sflag:s8] =	dma.local @!p0 [hbm:s6], $0xF7A  }
0x23: {  	s9 =	sor.u32 $0xD0000000, s2;
	s6 =	simm.s32 $0x108;
	_ =	swait.ge @!p0 [sflag:s8], $0x0  }
0x24: {  	s3 =	sadd.s32 $0x88, s3;
	s6 =	simm.s32 @!p1 $0x1082;
	[sflag:s4] =	ssyncset.s32 $0xFFFFF086  }
0x25: {  	[simem:s6], [sflag:s4] =	dma.local [hbm:s3], $0xF7A  }
0x26: {  	[smem:$0x3F9E] =	sst s1;
	(tag) =	ssettag s2;
	_ =	strace s9  }
0x27: {  	s1 =	sld [smem:$0x3FAE]  }
0x28: {  	s2 =	sld [smem:$0x3FAF]  }
0x29: {  	s4 =	sld [smem:$0x3FB1]  }
0x2a: {  	p0 =	seq.s32 s5, $0x0;
	s5 =	sld [smem:$0x3FB2]  }
0x2b: {  	s6 =	sld [smem:$0x3FB3]  }
0x2c: {  	s7 =	sld [smem:$0x3FB4]  }
0x2d: {  	s3 =	simm.s32 $0x108;
	s8 =	sld [smem:$0x3FB5]  }
0x2e: {  	s3 =	simm.s32 @!p0 $0x1082;
	s9 =	sld [smem:$0x3FB6]  }
0x2f: {  	lr =	sadd.s32 s0, s3;
	s0 =	sld [smem:$0x3FAD]  }
0x30: {  	s3 =	sld [smem:$0x3FB0]  }
0x31: {  	[smem:$0x3FB9] =	sst s10  }
0x32: {  	s10 =	sld [smem:$0x3FB7];
	_ =	sdelay $0x3  }
0x33: {  	p0 =	seq.s32 s10, $0x1;
	s10 =	sld [smem:$0x3FB9];
	_ =	sdelay $0x3  }
0x34: {  	[smem:$0x3FB9] =	sst s10  }
0x35: {  	s10 =	sld [smem:$0x3FB8];
	_ =	sdelay $0x3  }
0x36: {  	p1 =	seq.s32 s10, $0x1;
	s10 =	sld [smem:$0x3FB9];
	_ =	sdelay $0x3  }
0x37: {  	[smem:$0x3FB9] =	sst s10  }
0x38: {  	s10 =	sld [smem:$0x3FBA]  }
0x39: {  	_ = 	snop;
	(pc) =	sbr.ind lr, $3  }
0x3a: {  	_ = 	snop  }
0x3b: {  	_ = 	snop  }
0x3c: {  	p2 =	seq.s32 s10, $0x1;
	s10 =	sld [smem:$0x3FB9]  }
0x3d: {  	_ =	shalt  }
0x3e: {  	_ =	shalt  }
0x3f: {  	_ =	shalt  }
0x40: {  	_ =	shalt  }
0x41: {  	_ =	shalt  }
0x42: {  	_ =	shalt  }
0x43: {  	_ =	shalt  }
0x44: {  	_ =	shalt  }
0x45: {  	_ =	shalt  }
0x46: {  	_ =	shalt  }
0x47: {  	_ =	shalt  }
0x48: {  	_ =	shalt  }
0x49: {  	_ =	shalt  }
0x4a: {  	_ =	shalt  }
0x4b: {  	_ =	shalt  }
0x4c: {  	_ =	shalt  }
0x4d: {  	_ =	shalt  }
0x4e: {  	_ =	shalt  }
0x4f: {  	_ =	shalt  }
0x50: {  	_ =	shalt  }
0x51: {  	_ =	shalt  }
0x52: {  	_ =	shalt  }
0x53: {  	_ =	shalt  }
0x54: {  	_ =	shalt  }
0x55: {  	_ =	shalt  }
0x56: {  	_ =	shalt  }
0x57: {  	_ =	shalt  }
0x58: {  	_ =	shalt  }
0x59: {  	_ =	shalt  }
0x5a: {  	_ =	shalt  }
0x5b: {  	_ =	shalt  }
0x5c: {  	_ =	shalt  }
0x5d: {  	_ =	shalt  }
0x5e: {  	_ =	shalt  }
0x5f: {  	_ =	shalt  }
0x60: {  	_ =	shalt  }
0x61: {  	_ =	shalt  }
0x62: {  	_ =	shalt  }
0x63: {  	_ =	shalt  }
0x64: {  	_ =	shalt  }
0x65: {  	_ =	shalt  }
0x66: {  	_ =	shalt  }
0x67: {  	_ =	shalt  }
0x68: {  	_ =	shalt  }
0x69: {  	_ =	shalt  }
0x6a: {  	_ =	shalt  }
0x6b: {  	_ =	shalt  }
0x6c: {  	_ =	shalt  }
0x6d: {  	_ =	shalt  }
0x6e: {  	_ =	shalt  }
0x6f: {  	_ =	shalt  }
0x70: {  	_ =	shalt  }
0x71: {  	_ =	shalt  }
0x72: {  	_ =	shalt  }
0x73: {  	_ =	shalt  }
0x74: {  	_ =	shalt  }
0x75: {  	_ =	shalt  }
0x76: {  	_ =	shalt  }
0x77: {  	_ =	shalt  }
0x78: {  	_ =	shalt  }
0x79: {  	_ =	shalt  }
0x7a: {  	_ =	shalt  }
0x7b: {  	_ =	shalt  }
0x7c: {  	_ =	shalt  }
0x7d: {  	_ =	shalt  }
0x7e: {  	_ =	shalt  }
0x7f: {  	_ =	shalt  }
0x80: {  	_ =	shalt  }
0x81: {  	_ =	shalt  }
0x82: {  	_ =	shalt  }
0x83: {  	_ =	shalt  }
0x84: {  	_ =	shalt  }
0x85: {  	_ =	shalt  }
0x86: {  	_ =	shalt  }
0x87: {  	_ =	shalt  }
.Lfunc_end0:
.L_simem_size_0:
called_computation_lowered:
.L_overlay_start_0:
0x88: {  	s2 =	sld [smem:$0x3FD9]  }
0x89: {  	s3 =	sld [smem:$0x3FFE];
	_ =	sdelay $0x1  }
0x8a: {  	s1 =	srdreg.scid  }
0x8b: {  	s0 =	sand.u32 $0x1, s1  }
0x8c: {  	s14 =	sshll.u32 s0, $0xA;
	s2 =	sadd.s32 s3, s2  }
0x8d: {  	s2 =	sadd.s32 s2, s14  }
0x8e: {  	[smem:$0x3FC5] =	sst s2  }
0x8f: {  	_ = 	snop  }
0x90: {  	s2 =	sld [smem:$0x3FD0];
	_ =	sdelay $0x2  }
0x91: {  	s15 =	simm.s32 $0xA;
	s4 =	simm.s32 $0x10  }
0x92: {  	[smem:s4], [sflag:s15] =	dma.local [hbm:s2], $0x1  }
0x93: {  	_ =	swait.eq [sflag:s15], $0x1  }
0x94: {  	[sflag:s15] =	ssyncset.done $0x0  }
0x95: {  	s16 =	sld [smem:$0x10];
	[sflag:s15] =	ssyncadd.s32 $0xFFFFFFFF  }
0x96: {  	s17 =	sld [smem:$0x11];
	(tm) =	ssettm $0x1  }
0x97: {  	s18 =	sld [smem:$0x3FFB];
	_ =	sdelay $0x3  }
0x98: {  	_ =	strace s18  }
0x99: {  	s4 =	sld [smem:$0x3FFC];
	_ =	sdelay $0x3  }
0x9a: {  	_ =	strace s4  }
0x9b: {  	s4 =	sld [smem:$0x3FFD];
	_ =	sdelay $0x3  }
0x9c: {  	_ =	strace s4  }
0x9d: {  	_ =	strace $0x8FFFFFFF  }
0x9e: {  	s19 =	sld [smem:$0x3FDB];
	_ =	sdelay $0x1  }
0x9f: {  	s5 =	simm.s32 $_scs_section_size  }
0xa0: {  	s6 =	simm.s32 $_size__tile_overlayer_lowered;
	s7 =	simm.s32 $_tile_overlayer_lowered  }
0xa1: {  	s22 =	simm.s32 $0x1BFF;
	s21 =	sshll.u32 s7, $0x1;
	s4 =	sadd.s32 s5, s19  }
0xa2: {  	s8 =	simm.s32 $0x0;
	s20 =	sshll.u32 s6, $0x1;
	s6 =	sadd.s32 s21, s4  }
0xa3: {  	[timem:s8], [sflag:s22] =	dma.local [hbm:s6], s20  }
0xa4: {  	_ =	swait.ge [sflag:s22], s20  }
0xa5: {  	s5 =	ssub.s32 $0x0, s20;
	[sflag:s22] =	ssyncset.done $0x0  }
0xa6: {  	[sflag:s22] =	ssyncadd.s32 s5;
	_ =	sdelay $0x1  }
0xa7: {  	s23 =	simm.s32 $0x1B8B  }
0xa8: {  	_ =	swait.ge [sflag:s23], $0x1  }
0xa9: {  	[sflag:s23] =	ssyncset.done $0x0  }
0xaa: {  	s25 =	simm.s32 $0x1B8E;
	s24 =	sld [smem:$0x3FFE];
	[sflag:s23] =	ssyncadd.s32 $0xFFFFFFFF  }
0xab: {  	s26 =	simm.s32 $execute0_lowered;
	[smem:$0x3FD2] =	sst s25  }
0xac: {  	s6 =	sshll.u32 s26, $0x1;
	_ =	strace $0x80000046;
	[dreg:$0x1] =	wrdreg $0xFFFFFFFF  }
0xad: {  	s28 =	simm.s32 $_size_execute0_lowered;
	s4 =	sadd.s32 s4, s6;
	[dreg:$0x0] =	wrdreg $0x0  }
0xae: {  	s6 =	sshll.u32 s28, $0x1;
	[dreg:$0x2] =	wrdreg s4  }
0xaf: {  	[dreg:$0x3] =	wrdreg s6  }
0xb0: {  	[dreg:$0x4] =	wrdreg $0xC0  }
0xb1: {  	_ =	task [dreg:s8], $0x5FFFF  }
0xb2: {  	[dreg:$0x1] =	wrdreg $0xFFFFFFFF  }
0xb3: {  	[dreg:$0x0] =	wrdreg $0x60  }
0xb4: {  	[dreg:$0x2] =	wrdreg s24  }
0xb5: {  	[dreg:$0x3] =	wrdreg s16  }
0xb6: {  	[dreg:$0x4] =	wrdreg s17  }
0xb7: {  	[dreg:$0x5] =	wrdreg $0x9  }
0xb8: {  	_ =	task.clear_ibuf [dreg:s8], $0x6FFFF;
	_ =	strace $0x90000046  }
0xb9: {  	s29 =	simm.s32 $0x9;
	_ =	strace $0x80000048  }
0xba: {  	_ =	swait.ge [sflag:s29], $0x1  }
0xbb: {  	[sflag:s29] =	ssyncadd.s32 $0xFFFFFFFF  }
0xbc: {  	_ =	strace $0x90000048  }
0xbd: {  	_ =	sfence  }
0xbe: {  	s30 =	sld [smem:$0x0];
	_ =	sdelay $0x2  }
0xbf: {  	s31 =	sshll.u32 s1, $0xD;
	s1 =	sshrl.u32 s1, $0x2  }
0xc0: {  	s3 =	sand.u32 $0x4000, s31;
	s1 =	sadd.s32 s1, s30  }
0xc1: {  	s0 =	sor.u32 s3, s0;
	s1 =	sshll.u32 s1, $0x11  }
0xc2: {  	s0 =	sor.u32 s1, s0  }
0xc3: {  	s0 =	sadd.s32 $0x8F2B, s0  }
0xc4: {  	[sflag:s0] =	ssyncadd.remote.s32 $0x1  }
0xc5: {  	_ =	sfence.sel $0xFFFF  }
0xc6: {  	[dreg:$0x0] =	wrdreg $0xFFFFFFFF;
	(pc) =	sbr.abs _section_cstart, $3  }
0xc7: {  	[dreg:$0x1] =	wrdreg $0xFFFFFFFF  }
0xc8: {  	_ =	task.clear_ibuf [dreg:s8], $0x2FFFF;
	_ =	strace $0x9FFFFFFF  }
0xc9: {  	(tm) =	ssettm $0x7FFFFFFF  }
tec
execute0_lowered:
.L_overlay_start_1:
0x0: {  	(tag) =	ssettag $0x1  }
0x1: {  	s3 =	rddreg [dreg:$0x0]  }
0x2: {  	s4 =	rddreg [dreg:$0x1]  }
0x3: {  	s5 =	rddreg [dreg:$0x2];
	s1 =	simm.s32 $0x0  }
0x4: {  	[smem:$0x7FF] =	sst s1  }
0x5: {  	s0 =	rddreg [dreg:$0x3];
	v0 =	vimm.s32 $0x0;
	_ =	strace $0x80000047  }
0x6: {  	(xrf1) =	vunique.msk.u32 $0xffff, v0;
	_ =	sdelay $0xd  }
0x7: {  	_, v1, _ =	vpop (xrf1)  }
0x8: {  	v1 =	vxor.u32 $0x80000000, v1  }
0x9: {  	(xrf0) =	vmin.scan.msk.u32 $0xffff, v1;
	_ =	sdelay $0x5  }
0xa: {  	v1, _, _ =	vpop (xrf0)  }
0xb: {  	(v2sf) =	vpush v1, $0xF;
	_ =	sdelay $0x8  }
0xc: {  	s6 =	srdreg.scid;
	s2 =	stileid.u32  }
0xd: {  	s11 =	simm.s32 $0x2000;
	s12 =	simm.s32 $0x6000;
	s13 =	simm.s32 $0x4000  }
0xe: {  	s6 =	sand.u32 $0x1, s6;
	s7 =	sshll.u32 s2, $0x8;
	s8 =	sshrl.u32 s2, $0x2  }
0xf: {  	s9 =	sshll.u32 s6, $0x7;
	s7 =	sand.u32 $0x300, s7;
	s29 =	sshll.u32 s8, $0x10  }
0x10: {  	s8 =	smul.u32 $0xA000, s8;
	s6 =	ssub.s32 $0x2, s6;
	s7 =	sor.u32 s9, s7  }
0x11: {  	s14 =	simm.s32 $0x0;
	s30 =	sshrl.u32 s6, $0x1;
	s9 =	sor.u32 s29, s7  }
0x12: {  	s7 =	sor.u32 s8, s7;
	s6 =	ssub.s32 s6, s30;
	s10 =	spop (v2sf)  }
0x13: {  	s8 =	simm.s32 $0x400;
	s9 =	sshrl.u32 s9, $0x3;
	v1 =	vlaneseq.u32;
	s31 =	sxor.u32 $0x80000000, s10  }
0x14: {  	s7 =	sshrl.u32 s7, $0x3;
	s6 =	smax.u32 s6, $0x1;
	s3 =	sadd.s32 s9, s3;
	v4 =	vmul.u32 $0xFFFFFFFF, v1;
	v2 =	vmov s31  }
0x15: {  	s4 =	sadd.s32 s4, s7;
	s5 =	sadd.s32 s5, s7;
	s7 =	simm.s32 $0x80;
	v3 =	vsub.s32 $0x1, v2  }
0x16: {  	s9 =	simm.s32 $0x1;
	s3 =	sadd.s32 $0xC00, s3;
	v4 =	vadd.s32 $0xF, v4;
	s10 =	simm.s32 $0x8000;
	v3 =	vbroadcast v3, $0x0  }
.LBB2_1:
0x17: {  	[tilespmem:s1], [sflag:$0x1] =	stream.strided.gather [hbm4b:s3+s7], $0x2000, s8, s7, $0x38;
	[tilespmem:$0x8080] =	vst v63  }
0x18: {  	_ =	swait.ge [sflag:s9], $0x2000  }
0x19: {  	[sflag:s9] =	ssyncset.done $0x0  }
0x1a: {  	[sflag:s9] =	ssyncadd.s32 $0xFFFFE000  }
0x1b: {  	[tilespmem:$0x8000] =	vst v0  }
0x1c: {  	s15 =	simm.s32 $0xFFFFFFFC;
	s16 =	simm.s32 $0x20;
	[tilespmem:$0x8010] =	vst v0  }
.LBB2_2:
0x1d: {  	v5 =	vld [tilespmem:s16+$0xFFFFFFE0];
	_ =	sdelay $0x4  }
0x1e: {  	v5 =	vand.u32 $0x1F, v5  }
0x1f: {  	(xrf1) =	vunique.msk.u32 $0xffff, v5;
	_ =	sdelay $0xd  }
0x20: {  	_, v6, vm0 =	vpop (xrf1);
	_ =	sdelay $0x4  }
0x21: {  	v6 =	vadd.s32 v6, v3  }
0x22: {  	[tilespmem:v5+s10+$0x0] =	vst.idx.add.s32.msk vm0, v6  }
0x23: {  	v5 =	vld [tilespmem:s16+$0xFFFFFFF0];
	_ =	sdelay $0x4  }
0x24: {  	v5 =	vand.u32 $0x1F, v5  }
0x25: {  	(xrf1) =	vunique.msk.u32 $0xffff, v5;
	_ =	sdelay $0xd  }
0x26: {  	_, v6, vm0 =	vpop (xrf1);
	_ =	sdelay $0x4  }
0x27: {  	v6 =	vadd.s32 v6, v3  }
0x28: {  	[tilespmem:v5+s10+$0x0] =	vst.idx.add.s32.msk vm0, v6  }
0x29: {  	v5 =	vld [tilespmem:s16+$0x0];
	_ =	sdelay $0x4  }
0x2a: {  	v5 =	vand.u32 $0x1F, v5  }
0x2b: {  	(xrf1) =	vunique.msk.u32 $0xffff, v5;
	_ =	sdelay $0xd  }
0x2c: {  	_, v6, vm0 =	vpop (xrf1);
	_ =	sdelay $0x4  }
0x2d: {  	v6 =	vadd.s32 v6, v3  }
0x2e: {  	[tilespmem:v5+s10+$0x0] =	vst.idx.add.s32.msk vm0, v6  }
0x2f: {  	v5 =	vld [tilespmem:s16+$0x10];
	_ =	sdelay $0x4  }
0x30: {  	v5 =	vand.u32 $0x1F, v5  }
0x31: {  	(xrf1) =	vunique.msk.u32 $0xffff, v5;
	_ =	sdelay $0xd  }
0x32: {  	s15 =	sadd.s32 $0x4, s15;
	_, v6, vm0 =	vpop (xrf1)  }
0x33: {  	p0 =	slt.u32 s15, $0x1FC  }
.Ltmp0:
0x34: {  	_ = 	snop;
	(pc) =	sbr.rel @p0 .LBB2_2-.Ltmp0, $3  }
0x35: {  	_ =	sdelay $0x1  }
0x36: {  	v6 =	vadd.s32 v6, v3  }
0x37: {  	s16 =	sadd.s32 $0x40, s16;
	[tilespmem:v5+s10+$0x0] =	vst.idx.add.s32.msk vm0, v6  }
0x38: {  	v5 =	vld [tilespmem:$0x8010];
	_ =	sdelay $0x4  }
0x39: {  	v5 =	vperm.xlane v5, v4;
	_ =	sdelay $0x1  }
0x3a: {  	v6 =	vld [tilespmem:$0x8000];
	(xrf0) =	vadd.scan.msk.s32 $0xffff, v5;
	_ =	sdelay $0x4  }
0x3b: {  	v6 =	vperm.xlane v6, v4  }
0x3c: {  	v7, _, _ =	vpop (xrf0)  }
0x3d: {  	(xrf0) =	vadd.scan.msk.s32 $0xffff, v6;
	v8 =	vxor.u32 $0x80000000, v7  }
0x3e: {  	(xrf0) =	vmax.scan.msk.u32 $0xffff, v8;
	_ =	sdelay $0x4  }
0x3f: {  	v63, _, _ =	vpop (xrf0)  }
0x40: {  	v9, _, _ =	vpop (xrf0)  }
0x41: {  	(v2sf) =	vpush v9, $0xF;
	_ =	sdelay $0xe  }
0x42: {  	s15 =	spop (v2sf)  }
0x43: {  	v5 =	vsub.s32 v7, v5;
	v6 =	vsub.s32 v63, v6;
	s15 =	sxor.u32 $0x80000000, s15  }
0x44: {  	v5 =	vperm.xlane v5, v4;
	v6 =	vadd.s32 s15, v6  }
0x45: {  	v6 =	vperm.xlane v6, v4  }
0x46: {  	[tilespmem:$0x8010] =	vst v5  }
0x47: {  	s16 =	simm.s32 $0x0;
	s17 =	simm.s32 $0x20;
	s15 =	simm.s32 $0xFFFFFFFC;
	[tilespmem:$0x8000] =	vst v6  }
.LBB2_4:
0x48: {  	v5 =	vld [tilespmem:s17+$0xFFFFFFE0];
	_ =	sdelay $0x4  }
0x49: {  	v6 =	vand.u32 $0x1F, v5  }
0x4a: {  	(xrf1) =	vunique.msk.u32 $0xffff, v6;
	_ =	sdelay $0xa  }
0x4b: {  	v7 =	vld.idx.msk [tilespmem:v6+s10+$0x0], $0xffff;
	_ =	sdelay $0x2  }
0x4c: {  	_, v8, vm0 =	vpop (xrf1)  }
0x4d: {  	v8 =	vsub.s32 v8, v2  }
0x4e: {  	v7 =	vadd.s32 v7, v8;
	_ =	sdelay $0x2  }
0x4f: {  	v8 =	vadd.s32 $0x1, v8  }
0x50: {  	[tilespmem:v6+s10+$0x0] =	vst.idx.add.s32.msk vm0, v8  }
0x51: {  	v6 =	vor.u32 s16, v1;
	[tilespmem:v7+s11+$0x0] =	vst.idx.msk $0xffff, v5  }
0x52: {  	[tilespmem:v7+s12+$0x0] =	vst.idx.msk $0xffff, v6  }
0x53: {  	v5 =	vld [tilespmem:s17+$0xFFFFFFF0];
	_ =	sdelay $0x4  }
0x54: {  	v6 =	vand.u32 $0x1F, v5  }
0x55: {  	(xrf1) =	vunique.msk.u32 $0xffff, v6;
	_ =	sdelay $0xa  }
0x56: {  	v7 =	vld.idx.msk [tilespmem:v6+s10+$0x0], $0xffff;
	_ =	sdelay $0x2  }
0x57: {  	_, v8, vm0 =	vpop (xrf1)  }
0x58: {  	v8 =	vsub.s32 v8, v2  }
0x59: {  	v7 =	vadd.s32 v7, v8;
	_ =	sdelay $0x2  }
0x5a: {  	v8 =	vadd.s32 $0x1, v8  }
0x5b: {  	s18 =	sadd.s32 $0x10, s16;
	[tilespmem:v6+s10+$0x0] =	vst.idx.add.s32.msk vm0, v8  }
0x5c: {  	v6 =	vor.u32 s18, v1;
	[tilespmem:v7+s11+$0x0] =	vst.idx.msk $0xffff, v5  }
0x5d: {  	[tilespmem:v7+s12+$0x0] =	vst.idx.msk $0xffff, v6  }
0x5e: {  	v5 =	vld [tilespmem:s17+$0x0];
	_ =	sdelay $0x4  }
0x5f: {  	v6 =	vand.u32 $0x1F, v5  }
0x60: {  	(xrf1) =	vunique.msk.u32 $0xffff, v6;
	_ =	sdelay $0xa  }
0x61: {  	v7 =	vld.idx.msk [tilespmem:v6+s10+$0x0], $0xffff;
	_ =	sdelay $0x2  }
0x62: {  	_, v8, vm0 =	vpop (xrf1)  }
0x63: {  	v8 =	vsub.s32 v8, v2  }
0x64: {  	v7 =	vadd.s32 v7, v8;
	_ =	sdelay $0x2  }
0x65: {  	v8 =	vadd.s32 $0x1, v8  }
0x66: {  	s30 =	sadd.s32 $0x20, s16;
	[tilespmem:v6+s10+$0x0] =	vst.idx.add.s32.msk vm0, v8  }
0x67: {  	v6 =	vor.u32 s30, v1;
	[tilespmem:v7+s11+$0x0] =	vst.idx.msk $0xffff, v5  }
0x68: {  	[tilespmem:v7+s12+$0x0] =	vst.idx.msk $0xffff, v6  }
0x69: {  	v5 =	vld [tilespmem:s17+$0x10];
	_ =	sdelay $0x4  }
0x6a: {  	v6 =	vand.u32 $0x1F, v5  }
0x6b: {  	(xrf1) =	vunique.msk.u32 $0xffff, v6;
	_ =	sdelay $0xa  }
0x6c: {  	v7 =	vld.idx.msk [tilespmem:v6+s10+$0x0], $0xffff;
	_ =	sdelay $0x2  }
0x6d: {  	_, v8, vm0 =	vpop (xrf1)  }
0x6e: {  	v8 =	vsub.s32 v8, v2  }
0x6f: {  	s15 =	sadd.s32 $0x4, s15;
	v7 =	vadd.s32 v7, v8  }
0x70: {  	p0 =	slt.u32 s15, $0x1FC  }
.Ltmp1:
0x71: {  	_ = 	snop;
	(pc) =	sbr.rel @p0 .LBB2_4-.Ltmp1, $4  }
0x72: {  	v8 =	vadd.s32 $0x1, v8  }
0x73: {  	s31 =	sadd.s32 $0x30, s16;
	[tilespmem:v6+s10+$0x0] =	vst.idx.add.s32.msk vm0, v8  }
0x74: {  	v6 =	vor.u32 s31, v1;
	[tilespmem:v7+s11+$0x0] =	vst.idx.msk $0xffff, v5  }
0x75: {  	s16 =	sadd.s32 $0x40, s16;
	s17 =	sadd.s32 $0x40, s17;
	[tilespmem:v7+s12+$0x0] =	vst.idx.msk $0xffff, v6  }
0x76: {  	[tilespmem:$0x8000] =	vst v0  }
0x77: {  	[tilespmem:$0x8010] =	vst v0;
	s15 =	simm.s32 $0xFFFFFFFC;
	s16 =	simm.s32 $0x2020  }
.LBB2_6:
0x78: {  	v5 =	vld [tilespmem:s16+$0xFFFFFFE0];
	_ =	sdelay $0x4  }
0x79: {  	v5 =	vshrl.u32 v5, $0x5  }
0x7a: {  	v5 =	vand.u32 $0x1F, v5  }
0x7b: {  	(xrf1) =	vunique.msk.u32 $0xffff, v5;
	_ =	sdelay $0xd  }
0x7c: {  	_, v6, vm0 =	vpop (xrf1);
	_ =	sdelay $0x4  }
0x7d: {  	v6 =	vadd.s32 v6, v3  }
0x7e: {  	[tilespmem:v5+s10+$0x0] =	vst.idx.add.s32.msk vm0, v6  }
0x7f: {  	v5 =	vld [tilespmem:s16+$0xFFFFFFF0];
	_ =	sdelay $0x4  }
0x80: {  	v5 =	vshrl.u32 v5, $0x5  }
0x81: {  	v5 =	vand.u32 $0x1F, v5  }
0x82: {  	(xrf1) =	vunique.msk.u32 $0xffff, v5;
	_ =	sdelay $0xd  }
0x83: {  	_, v6, vm0 =	vpop (xrf1);
	_ =	sdelay $0x4  }
0x84: {  	v6 =	vadd.s32 v6, v3  }
0x85: {  	[tilespmem:v5+s10+$0x0] =	vst.idx.add.s32.msk vm0, v6  }
0x86: {  	v5 =	vld [tilespmem:s16+$0x0];
	_ =	sdelay $0x4  }
0x87: {  	v5 =	vshrl.u32 v5, $0x5  }
0x88: {  	v5 =	vand.u32 $0x1F, v5  }
0x89: {  	(xrf1) =	vunique.msk.u32 $0xffff, v5;
	_ =	sdelay $0xd  }
0x8a: {  	_, v6, vm0 =	vpop (xrf1);
	_ =	sdelay $0x4  }
0x8b: {  	v6 =	vadd.s32 v6, v3  }
0x8c: {  	[tilespmem:v5+s10+$0x0] =	vst.idx.add.s32.msk vm0, v6  }
0x8d: {  	v5 =	vld [tilespmem:s16+$0x10];
	_ =	sdelay $0x4  }
0x8e: {  	v5 =	vshrl.u32 v5, $0x5  }
0x8f: {  	v5 =	vand.u32 $0x1F, v5  }
0x90: {  	(xrf1) =	vunique.msk.u32 $0xffff, v5;
	_ =	sdelay $0xd  }
0x91: {  	s15 =	sadd.s32 $0x4, s15;
	_, v6, vm0 =	vpop (xrf1)  }
0x92: {  	p0 =	slt.u32 s15, $0x1FC  }
.Ltmp2:
0x93: {  	_ = 	snop;
	(pc) =	sbr.rel @p0 .LBB2_6-.Ltmp2, $3  }
0x94: {  	_ =	sdelay $0x1  }
0x95: {  	v6 =	vadd.s32 v6, v3  }
0x96: {  	s16 =	sadd.s32 $0x40, s16;
	[tilespmem:v5+s10+$0x0] =	vst.idx.add.s32.msk vm0, v6  }
0x97: {  	v5 =	vld [tilespmem:$0x8010];
	_ =	sdelay $0x4  }
0x98: {  	v5 =	vperm.xlane v5, v4;
	_ =	sdelay $0x1  }
0x99: {  	v6 =	vld [tilespmem:$0x8000];
	(xrf0) =	vadd.scan.msk.s32 $0xffff, v5;
	_ =	sdelay $0x4  }
0x9a: {  	v6 =	vperm.xlane v6, v4  }
0x9b: {  	v7, _, _ =	vpop (xrf0)  }
0x9c: {  	(xrf0) =	vadd.scan.msk.s32 $0xffff, v6;
	v8 =	vxor.u32 $0x80000000, v7  }
0x9d: {  	(xrf0) =	vmax.scan.msk.u32 $0xffff, v8;
	_ =	sdelay $0x4  }
0x9e: {  	v63, _, _ =	vpop (xrf0)  }
0x9f: {  	v9, _, _ =	vpop (xrf0)  }
0xa0: {  	(v2sf) =	vpush v9, $0xF;
	_ =	sdelay $0xe  }
0xa1: {  	s15 =	spop (v2sf)  }
0xa2: {  	v5 =	vsub.s32 v7, v5;
	v6 =	vsub.s32 v63, v6;
	s15 =	sxor.u32 $0x80000000, s15  }
0xa3: {  	v5 =	vperm.xlane v5, v4;
	v6 =	vadd.s32 s15, v6  }
0xa4: {  	v6 =	vperm.xlane v6, v4  }
0xa5: {  	[tilespmem:$0x8010] =	vst v5  }
0xa6: {  	s16 =	simm.s32 $0x6020;
	s17 =	simm.s32 $0x2020;
	s15 =	simm.s32 $0xFFFFFFFC;
	[tilespmem:$0x8000] =	vst v6  }
.LBB2_8:
0xa7: {  	v5 =	vld [tilespmem:s17+$0xFFFFFFE0];
	_ =	sdelay $0x4  }
0xa8: {  	v6 =	vshrl.u32 v5, $0x5  }
0xa9: {  	v6 =	vand.u32 $0x1F, v6  }
0xaa: {  	(xrf1) =	vunique.msk.u32 $0xffff, v6;
	_ =	sdelay $0xa  }
0xab: {  	v7 =	vld.idx.msk [tilespmem:v6+s10+$0x0], $0xffff;
	_ =	sdelay $0x2  }
0xac: {  	_, v8, vm0 =	vpop (xrf1)  }
0xad: {  	v8 =	vsub.s32 v8, v2  }
0xae: {  	v7 =	vadd.s32 v7, v8  }
0xaf: {  	v9 =	vld [tilespmem:s16+$0xFFFFFFE0];
	_ =	sdelay $0x1  }
0xb0: {  	v8 =	vadd.s32 $0x1, v8  }
0xb1: {  	[tilespmem:v6+s10+$0x0] =	vst.idx.add.s32.msk vm0, v8  }
0xb2: {  	[tilespmem:v7+s1+$0x0] =	vst.idx.msk $0xffff, v5  }
0xb3: {  	[tilespmem:v7+s13+$0x0] =	vst.idx.msk $0xffff, v9  }
0xb4: {  	v5 =	vld [tilespmem:s17+$0xFFFFFFF0];
	_ =	sdelay $0x4  }
0xb5: {  	v6 =	vshrl.u32 v5, $0x5  }
0xb6: {  	v6 =	vand.u32 $0x1F, v6  }
0xb7: {  	(xrf1) =	vunique.msk.u32 $0xffff, v6;
	_ =	sdelay $0xa  }
0xb8: {  	v7 =	vld.idx.msk [tilespmem:v6+s10+$0x0], $0xffff;
	_ =	sdelay $0x2  }
0xb9: {  	_, v8, vm0 =	vpop (xrf1)  }
0xba: {  	v8 =	vsub.s32 v8, v2  }
0xbb: {  	v7 =	vadd.s32 v7, v8  }
0xbc: {  	v9 =	vld [tilespmem:s16+$0xFFFFFFF0];
	_ =	sdelay $0x1  }
0xbd: {  	v8 =	vadd.s32 $0x1, v8  }
0xbe: {  	[tilespmem:v6+s10+$0x0] =	vst.idx.add.s32.msk vm0, v8  }
0xbf: {  	[tilespmem:v7+s1+$0x0] =	vst.idx.msk $0xffff, v5  }
0xc0: {  	[tilespmem:v7+s13+$0x0] =	vst.idx.msk $0xffff, v9  }
0xc1: {  	v5 =	vld [tilespmem:s17+$0x0];
	_ =	sdelay $0x4  }
0xc2: {  	v6 =	vshrl.u32 v5, $0x5  }
0xc3: {  	v6 =	vand.u32 $0x1F, v6  }
0xc4: {  	(xrf1) =	vunique.msk.u32 $0xffff, v6;
	_ =	sdelay $0xa  }
0xc5: {  	v7 =	vld.idx.msk [tilespmem:v6+s10+$0x0], $0xffff;
	_ =	sdelay $0x2  }
0xc6: {  	_, v8, vm0 =	vpop (xrf1)  }
0xc7: {  	v8 =	vsub.s32 v8, v2  }
0xc8: {  	v7 =	vadd.s32 v7, v8  }
0xc9: {  	v9 =	vld [tilespmem:s16+$0x0];
	_ =	sdelay $0x1  }
0xca: {  	v8 =	vadd.s32 $0x1, v8  }
0xcb: {  	[tilespmem:v6+s10+$0x0] =	vst.idx.add.s32.msk vm0, v8  }
0xcc: {  	[tilespmem:v7+s1+$0x0] =	vst.idx.msk $0xffff, v5  }
0xcd: {  	[tilespmem:v7+s13+$0x0] =	vst.idx.msk $0xffff, v9  }
0xce: {  	v5 =	vld [tilespmem:s17+$0x10];
	_ =	sdelay $0x4  }
0xcf: {  	v6 =	vshrl.u32 v5, $0x5  }
0xd0: {  	v6 =	vand.u32 $0x1F, v6  }
0xd1: {  	(xrf1) =	vunique.msk.u32 $0xffff, v6;
	_ =	sdelay $0xa  }
0xd2: {  	v7 =	vld.idx.msk [tilespmem:v6+s10+$0x0], $0xffff;
	_ =	sdelay $0x2  }
0xd3: {  	_, v8, vm0 =	vpop (xrf1)  }
0xd4: {  	v8 =	vsub.s32 v8, v2  }
0xd5: {  	s15 =	sadd.s32 $0x4, s15;
	v7 =	vadd.s32 v7, v8  }
0xd6: {  	p0 =	slt.u32 s15, $0x1FC;
	v9 =	vld [tilespmem:s16+$0x10]  }
.Ltmp3:
0xd7: {  	_ = 	snop;
	(pc) =	sbr.rel @p0 .LBB2_8-.Ltmp3, $4  }
0xd8: {  	v8 =	vadd.s32 $0x1, v8  }
0xd9: {  	[tilespmem:v6+s10+$0x0] =	vst.idx.add.s32.msk vm0, v8  }
0xda: {  	[tilespmem:v7+s1+$0x0] =	vst.idx.msk $0xffff, v5  }
0xdb: {  	s16 =	sadd.s32 $0x40, s16;
	s17 =	sadd.s32 $0x40, s17;
	[tilespmem:v7+s13+$0x0] =	vst.idx.msk $0xffff, v9  }
0xdc: {  	[tilespmem:$0x8000] =	vst v0  }
0xdd: {  	[tilespmem:$0x8010] =	vst v0;
	s15 =	simm.s32 $0xFFFFFFFC;
	s16 =	simm.s32 $0x20  }
.LBB2_10:
0xde: {  	v5 =	vld [tilespmem:s16+$0xFFFFFFE0];
	_ =	sdelay $0x4  }
0xdf: {  	v5 =	vshrl.u32 v5, $0xA  }
0xe0: {  	v5 =	vand.u32 $0x1F, v5  }
0xe1: {  	(xrf1) =	vunique.msk.u32 $0xffff, v5;
	_ =	sdelay $0xd  }
0xe2: {  	_, v6, vm0 =	vpop (xrf1);
	_ =	sdelay $0x4  }
0xe3: {  	v6 =	vadd.s32 v6, v3  }
0xe4: {  	[tilespmem:v5+s10+$0x0] =	vst.idx.add.s32.msk vm0, v6  }
0xe5: {  	v5 =	vld [tilespmem:s16+$0xFFFFFFF0];
	_ =	sdelay $0x4  }
0xe6: {  	v5 =	vshrl.u32 v5, $0xA  }
0xe7: {  	v5 =	vand.u32 $0x1F, v5  }
0xe8: {  	(xrf1) =	vunique.msk.u32 $0xffff, v5;
	_ =	sdelay $0xd  }
0xe9: {  	_, v6, vm0 =	vpop (xrf1);
	_ =	sdelay $0x4  }
0xea: {  	v6 =	vadd.s32 v6, v3  }
0xeb: {  	[tilespmem:v5+s10+$0x0] =	vst.idx.add.s32.msk vm0, v6  }
0xec: {  	v5 =	vld [tilespmem:s16+$0x0];
	_ =	sdelay $0x4  }
0xed: {  	v5 =	vshrl.u32 v5, $0xA  }
0xee: {  	v5 =	vand.u32 $0x1F, v5  }
0xef: {  	(xrf1) =	vunique.msk.u32 $0xffff, v5;
	_ =	sdelay $0xd  }
0xf0: {  	_, v6, vm0 =	vpop (xrf1);
	_ =	sdelay $0x4  }
0xf1: {  	v6 =	vadd.s32 v6, v3  }
0xf2: {  	[tilespmem:v5+s10+$0x0] =	vst.idx.add.s32.msk vm0, v6  }
0xf3: {  	v5 =	vld [tilespmem:s16+$0x10];
	_ =	sdelay $0x4  }
0xf4: {  	v5 =	vshrl.u32 v5, $0xA  }
0xf5: {  	v5 =	vand.u32 $0x1F, v5  }
0xf6: {  	(xrf1) =	vunique.msk.u32 $0xffff, v5;
	_ =	sdelay $0xd  }
0xf7: {  	s15 =	sadd.s32 $0x4, s15;
	_, v6, vm0 =	vpop (xrf1)  }
0xf8: {  	p0 =	slt.u32 s15, $0x1FC  }
.Ltmp4:
0xf9: {  	_ = 	snop;
	(pc) =	sbr.rel @p0 .LBB2_10-.Ltmp4, $3  }
0xfa: {  	_ =	sdelay $0x1  }
0xfb: {  	v6 =	vadd.s32 v6, v3  }
0xfc: {  	s16 =	sadd.s32 $0x40, s16;
	[tilespmem:v5+s10+$0x0] =	vst.idx.add.s32.msk vm0, v6  }
0xfd: {  	v5 =	vld [tilespmem:$0x8010];
	_ =	sdelay $0x4  }
0xfe: {  	v5 =	vperm.xlane v5, v4;
	_ =	sdelay $0x1  }
0xff: {  	v6 =	vld [tilespmem:$0x8000];
	(xrf0) =	vadd.scan.msk.s32 $0xffff, v5;
	_ =	sdelay $0x4  }
0x100: {  	v6 =	vperm.xlane v6, v4  }
0x101: {  	v7, _, _ =	vpop (xrf0)  }
0x102: {  	(xrf0) =	vadd.scan.msk.s32 $0xffff, v6;
	v8 =	vxor.u32 $0x80000000, v7  }
0x103: {  	(xrf0) =	vmax.scan.msk.u32 $0xffff, v8;
	_ =	sdelay $0x4  }
0x104: {  	v63, _, _ =	vpop (xrf0)  }
0x105: {  	v9, _, _ =	vpop (xrf0)  }
0x106: {  	(v2sf) =	vpush v9, $0xF;
	_ =	sdelay $0xe  }
0x107: {  	s15 =	spop (v2sf)  }
0x108: {  	v5 =	vsub.s32 v7, v5;
	v6 =	vsub.s32 v63, v6;
	s15 =	sxor.u32 $0x80000000, s15  }
0x109: {  	v5 =	vperm.xlane v5, v4;
	v6 =	vadd.s32 s15, v6  }
0x10a: {  	v6 =	vperm.xlane v6, v4  }
0x10b: {  	[tilespmem:$0x8010] =	vst v5  }
0x10c: {  	s16 =	simm.s32 $0x4020;
	s17 =	simm.s32 $0x20;
	s15 =	simm.s32 $0xFFFFFFFC;
	[tilespmem:$0x8000] =	vst v6  }
.LBB2_12:
0x10d: {  	v5 =	vld [tilespmem:s17+$0xFFFFFFE0];
	_ =	sdelay $0x4  }
0x10e: {  	v6 =	vshrl.u32 v5, $0xA  }
0x10f: {  	v6 =	vand.u32 $0x1F, v6  }
0x110: {  	(xrf1) =	vunique.msk.u32 $0xffff, v6;
	_ =	sdelay $0xa  }
0x111: {  	v7 =	vld.idx.msk [tilespmem:v6+s10+$0x0], $0xffff;
	_ =	sdelay $0x2  }
0x112: {  	_, v8, vm0 =	vpop (xrf1)  }
0x113: {  	v8 =	vsub.s32 v8, v2  }
0x114: {  	v7 =	vadd.s32 v7, v8  }
0x115: {  	v9 =	vld [tilespmem:s16+$0xFFFFFFE0];
	_ =	sdelay $0x1  }
0x116: {  	v8 =	vadd.s32 $0x1, v8  }
0x117: {  	[tilespmem:v6+s10+$0x0] =	vst.idx.add.s32.msk vm0, v8  }
0x118: {  	[tilespmem:v7+s11+$0x0] =	vst.idx.msk $0xffff, v5  }
0x119: {  	[tilespmem:v7+s12+$0x0] =	vst.idx.msk $0xffff, v9  }
0x11a: {  	v5 =	vld [tilespmem:s17+$0xFFFFFFF0];
	_ =	sdelay $0x4  }
0x11b: {  	v6 =	vshrl.u32 v5, $0xA  }
0x11c: {  	v6 =	vand.u32 $0x1F, v6  }
0x11d: {  	(xrf1) =	vunique.msk.u32 $0xffff, v6;
	_ =	sdelay $0xa  }
0x11e: {  	v7 =	vld.idx.msk [tilespmem:v6+s10+$0x0], $0xffff;
	_ =	sdelay $0x2  }
0x11f: {  	_, v8, vm0 =	vpop (xrf1)  }
0x120: {  	v8 =	vsub.s32 v8, v2  }
0x121: {  	v7 =	vadd.s32 v7, v8  }
0x122: {  	v9 =	vld [tilespmem:s16+$0xFFFFFFF0];
	_ =	sdelay $0x1  }
0x123: {  	v8 =	vadd.s32 $0x1, v8  }
0x124: {  	[tilespmem:v6+s10+$0x0] =	vst.idx.add.s32.msk vm0, v8  }
0x125: {  	[tilespmem:v7+s11+$0x0] =	vst.idx.msk $0xffff, v5  }
0x126: {  	[tilespmem:v7+s12+$0x0] =	vst.idx.msk $0xffff, v9  }
0x127: {  	v5 =	vld [tilespmem:s17+$0x0];
	_ =	sdelay $0x4  }
0x128: {  	v6 =	vshrl.u32 v5, $0xA  }
0x129: {  	v6 =	vand.u32 $0x1F, v6  }
0x12a: {  	(xrf1) =	vunique.msk.u32 $0xffff, v6;
	_ =	sdelay $0xa  }
0x12b: {  	v7 =	vld.idx.msk [tilespmem:v6+s10+$0x0], $0xffff;
	_ =	sdelay $0x2  }
0x12c: {  	_, v8, vm0 =	vpop (xrf1)  }
0x12d: {  	v8 =	vsub.s32 v8, v2  }
0x12e: {  	v7 =	vadd.s32 v7, v8  }
0x12f: {  	v9 =	vld [tilespmem:s16+$0x0];
	_ =	sdelay $0x1  }
0x130: {  	v8 =	vadd.s32 $0x1, v8  }
0x131: {  	[tilespmem:v6+s10+$0x0] =	vst.idx.add.s32.msk vm0, v8  }
0x132: {  	[tilespmem:v7+s11+$0x0] =	vst.idx.msk $0xffff, v5  }
0x133: {  	[tilespmem:v7+s12+$0x0] =	vst.idx.msk $0xffff, v9  }
0x134: {  	v5 =	vld [tilespmem:s17+$0x10];
	_ =	sdelay $0x4  }
0x135: {  	v6 =	vshrl.u32 v5, $0xA  }
0x136: {  	v6 =	vand.u32 $0x1F, v6  }
0x137: {  	(xrf1) =	vunique.msk.u32 $0xffff, v6;
	_ =	sdelay $0xa  }
0x138: {  	v7 =	vld.idx.msk [tilespmem:v6+s10+$0x0], $0xffff;
	_ =	sdelay $0x2  }
0x139: {  	_, v8, vm0 =	vpop (xrf1)  }
0x13a: {  	v8 =	vsub.s32 v8, v2  }
0x13b: {  	s15 =	sadd.s32 $0x4, s15;
	v7 =	vadd.s32 v7, v8  }
0x13c: {  	p0 =	slt.u32 s15, $0x1FC;
	v9 =	vld [tilespmem:s16+$0x10]  }
.Ltmp5:
0x13d: {  	_ = 	snop;
	(pc) =	sbr.rel @p0 .LBB2_12-.Ltmp5, $4  }
0x13e: {  	v8 =	vadd.s32 $0x1, v8  }
0x13f: {  	[tilespmem:v6+s10+$0x0] =	vst.idx.add.s32.msk vm0, v8  }
0x140: {  	[tilespmem:v7+s11+$0x0] =	vst.idx.msk $0xffff, v5  }
0x141: {  	s16 =	sadd.s32 $0x40, s16;
	s17 =	sadd.s32 $0x40, s17;
	[tilespmem:v7+s12+$0x0] =	vst.idx.msk $0xffff, v9  }
0x142: {  	[tilespmem:$0x8000] =	vst v0  }
0x143: {  	[tilespmem:$0x8010] =	vst v0;
	s15 =	simm.s32 $0xFFFFFFFC;
	s16 =	simm.s32 $0x2020  }
.LBB2_14:
0x144: {  	v5 =	vld [tilespmem:s16+$0xFFFFFFE0];
	_ =	sdelay $0x4  }
0x145: {  	v5 =	vshrl.u32 v5, $0xF  }
0x146: {  	v5 =	vand.u32 $0x1F, v5  }
0x147: {  	(xrf1) =	vunique.msk.u32 $0xffff, v5;
	_ =	sdelay $0xd  }
0x148: {  	_, v6, vm0 =	vpop (xrf1);
	_ =	sdelay $0x4  }
0x149: {  	v6 =	vadd.s32 v6, v3  }
0x14a: {  	[tilespmem:v5+s10+$0x0] =	vst.idx.add.s32.msk vm0, v6  }
0x14b: {  	v5 =	vld [tilespmem:s16+$0xFFFFFFF0];
	_ =	sdelay $0x4  }
0x14c: {  	v5 =	vshrl.u32 v5, $0xF  }
0x14d: {  	v5 =	vand.u32 $0x1F, v5  }
0x14e: {  	(xrf1) =	vunique.msk.u32 $0xffff, v5;
	_ =	sdelay $0xd  }
0x14f: {  	_, v6, vm0 =	vpop (xrf1);
	_ =	sdelay $0x4  }
0x150: {  	v6 =	vadd.s32 v6, v3  }
0x151: {  	[tilespmem:v5+s10+$0x0] =	vst.idx.add.s32.msk vm0, v6  }
0x152: {  	v5 =	vld [tilespmem:s16+$0x0];
	_ =	sdelay $0x4  }
0x153: {  	v5 =	vshrl.u32 v5, $0xF  }
0x154: {  	v5 =	vand.u32 $0x1F, v5  }
0x155: {  	(xrf1) =	vunique.msk.u32 $0xffff, v5;
	_ =	sdelay $0xd  }
0x156: {  	_, v6, vm0 =	vpop (xrf1);
	_ =	sdelay $0x4  }
0x157: {  	v6 =	vadd.s32 v6, v3  }
0x158: {  	[tilespmem:v5+s10+$0x0] =	vst.idx.add.s32.msk vm0, v6  }
0x159: {  	v5 =	vld [tilespmem:s16+$0x10];
	_ =	sdelay $0x4  }
0x15a: {  	v5 =	vshrl.u32 v5, $0xF  }
0x15b: {  	v5 =	vand.u32 $0x1F, v5  }
0x15c: {  	(xrf1) =	vunique.msk.u32 $0xffff, v5;
	_ =	sdelay $0xd  }
0x15d: {  	s15 =	sadd.s32 $0x4, s15;
	_, v6, vm0 =	vpop (xrf1)  }
0x15e: {  	p0 =	slt.u32 s15, $0x1FC  }
.Ltmp6:
0x15f: {  	_ = 	snop;
	(pc) =	sbr.rel @p0 .LBB2_14-.Ltmp6, $3  }
0x160: {  	_ =	sdelay $0x1  }
0x161: {  	v6 =	vadd.s32 v6, v3  }
0x162: {  	s16 =	sadd.s32 $0x40, s16;
	[tilespmem:v5+s10+$0x0] =	vst.idx.add.s32.msk vm0, v6  }
0x163: {  	v5 =	vld [tilespmem:$0x8010];
	_ =	sdelay $0x4  }
0x164: {  	v5 =	vperm.xlane v5, v4;
	_ =	sdelay $0x1  }
0x165: {  	v6 =	vld [tilespmem:$0x8000];
	(xrf0) =	vadd.scan.msk.s32 $0xffff, v5;
	_ =	sdelay $0x4  }
0x166: {  	v6 =	vperm.xlane v6, v4  }
0x167: {  	v7, _, _ =	vpop (xrf0)  }
0x168: {  	(xrf0) =	vadd.scan.msk.s32 $0xffff, v6;
	v8 =	vxor.u32 $0x80000000, v7  }
0x169: {  	(xrf0) =	vmax.scan.msk.u32 $0xffff, v8;
	_ =	sdelay $0x4  }
0x16a: {  	v63, _, _ =	vpop (xrf0)  }
0x16b: {  	v9, _, _ =	vpop (xrf0)  }
0x16c: {  	(v2sf) =	vpush v9, $0xF;
	_ =	sdelay $0xe  }
0x16d: {  	s15 =	spop (v2sf)  }
0x16e: {  	v5 =	vsub.s32 v7, v5;
	v6 =	vsub.s32 v63, v6;
	s15 =	sxor.u32 $0x80000000, s15  }
0x16f: {  	v5 =	vperm.xlane v5, v4;
	v6 =	vadd.s32 s15, v6  }
0x170: {  	v6 =	vperm.xlane v6, v4  }
0x171: {  	[tilespmem:$0x8010] =	vst v5  }
0x172: {  	s16 =	simm.s32 $0x6020;
	s17 =	simm.s32 $0x2020;
	s15 =	simm.s32 $0xFFFFFFFC;
	[tilespmem:$0x8000] =	vst v6  }
.LBB2_16:
0x173: {  	v5 =	vld [tilespmem:s17+$0xFFFFFFE0];
	_ =	sdelay $0x4  }
0x174: {  	v6 =	vshrl.u32 v5, $0xF  }
0x175: {  	v6 =	vand.u32 $0x1F, v6  }
0x176: {  	(xrf1) =	vunique.msk.u32 $0xffff, v6;
	_ =	sdelay $0xa  }
0x177: {  	v7 =	vld.idx.msk [tilespmem:v6+s10+$0x0], $0xffff;
	_ =	sdelay $0x2  }
0x178: {  	_, v8, vm0 =	vpop (xrf1)  }
0x179: {  	v8 =	vsub.s32 v8, v2  }
0x17a: {  	v7 =	vadd.s32 v7, v8  }
0x17b: {  	v9 =	vld [tilespmem:s16+$0xFFFFFFE0];
	_ =	sdelay $0x1  }
0x17c: {  	v8 =	vadd.s32 $0x1, v8  }
0x17d: {  	[tilespmem:v6+s10+$0x0] =	vst.idx.add.s32.msk vm0, v8  }
0x17e: {  	[tilespmem:v7+s1+$0x0] =	vst.idx.msk $0xffff, v5  }
0x17f: {  	[tilespmem:v7+s13+$0x0] =	vst.idx.msk $0xffff, v9  }
0x180: {  	v5 =	vld [tilespmem:s17+$0xFFFFFFF0];
	_ =	sdelay $0x4  }
0x181: {  	v6 =	vshrl.u32 v5, $0xF  }
0x182: {  	v6 =	vand.u32 $0x1F, v6  }
0x183: {  	(xrf1) =	vunique.msk.u32 $0xffff, v6;
	_ =	sdelay $0xa  }
0x184: {  	v7 =	vld.idx.msk [tilespmem:v6+s10+$0x0], $0xffff;
	_ =	sdelay $0x2  }
0x185: {  	_, v8, vm0 =	vpop (xrf1)  }
0x186: {  	v8 =	vsub.s32 v8, v2  }
0x187: {  	v7 =	vadd.s32 v7, v8  }
0x188: {  	v9 =	vld [tilespmem:s16+$0xFFFFFFF0];
	_ =	sdelay $0x1  }
0x189: {  	v8 =	vadd.s32 $0x1, v8  }
0x18a: {  	[tilespmem:v6+s10+$0x0] =	vst.idx.add.s32.msk vm0, v8  }
0x18b: {  	[tilespmem:v7+s1+$0x0] =	vst.idx.msk $0xffff, v5  }
0x18c: {  	[tilespmem:v7+s13+$0x0] =	vst.idx.msk $0xffff, v9  }
0x18d: {  	v5 =	vld [tilespmem:s17+$0x0];
	_ =	sdelay $0x4  }
0x18e: {  	v6 =	vshrl.u32 v5, $0xF  }
0x18f: {  	v6 =	vand.u32 $0x1F, v6  }
0x190: {  	(xrf1) =	vunique.msk.u32 $0xffff, v6;
	_ =	sdelay $0xa  }
0x191: {  	v7 =	vld.idx.msk [tilespmem:v6+s10+$0x0], $0xffff;
	_ =	sdelay $0x2  }
0x192: {  	_, v8, vm0 =	vpop (xrf1)  }
0x193: {  	v8 =	vsub.s32 v8, v2  }
0x194: {  	v7 =	vadd.s32 v7, v8  }
0x195: {  	v9 =	vld [tilespmem:s16+$0x0];
	_ =	sdelay $0x1  }
0x196: {  	v8 =	vadd.s32 $0x1, v8  }
0x197: {  	[tilespmem:v6+s10+$0x0] =	vst.idx.add.s32.msk vm0, v8  }
0x198: {  	[tilespmem:v7+s1+$0x0] =	vst.idx.msk $0xffff, v5  }
0x199: {  	[tilespmem:v7+s13+$0x0] =	vst.idx.msk $0xffff, v9  }
0x19a: {  	v5 =	vld [tilespmem:s17+$0x10];
	_ =	sdelay $0x4  }
0x19b: {  	v6 =	vshrl.u32 v5, $0xF  }
0x19c: {  	v6 =	vand.u32 $0x1F, v6  }
0x19d: {  	(xrf1) =	vunique.msk.u32 $0xffff, v6;
	_ =	sdelay $0xa  }
0x19e: {  	v7 =	vld.idx.msk [tilespmem:v6+s10+$0x0], $0xffff;
	_ =	sdelay $0x2  }
0x19f: {  	_, v8, vm0 =	vpop (xrf1)  }
0x1a0: {  	v8 =	vsub.s32 v8, v2  }
0x1a1: {  	s15 =	sadd.s32 $0x4, s15;
	v7 =	vadd.s32 v7, v8  }
0x1a2: {  	p0 =	slt.u32 s15, $0x1FC;
	v9 =	vld [tilespmem:s16+$0x10]  }
.Ltmp7:
0x1a3: {  	_ = 	snop;
	(pc) =	sbr.rel @p0 .LBB2_16-.Ltmp7, $4  }
0x1a4: {  	v8 =	vadd.s32 $0x1, v8  }
0x1a5: {  	[tilespmem:v6+s10+$0x0] =	vst.idx.add.s32.msk vm0, v8  }
0x1a6: {  	[tilespmem:v7+s1+$0x0] =	vst.idx.msk $0xffff, v5  }
0x1a7: {  	s16 =	sadd.s32 $0x40, s16;
	s17 =	sadd.s32 $0x40, s17;
	[tilespmem:v7+s13+$0x0] =	vst.idx.msk $0xffff, v9  }
0x1a8: {  	[tilespmem:$0x8000] =	vst v0  }
0x1a9: {  	[tilespmem:$0x8010] =	vst v0;
	s15 =	simm.s32 $0xFFFFFFFC;
	s16 =	simm.s32 $0x20  }
.LBB2_18:
0x1aa: {  	v5 =	vld [tilespmem:s16+$0xFFFFFFE0];
	_ =	sdelay $0x4  }
0x1ab: {  	v5 =	vshrl.u32 v5, $0x14  }
0x1ac: {  	v5 =	vand.u32 $0x1F, v5  }
0x1ad: {  	(xrf1) =	vunique.msk.u32 $0xffff, v5;
	_ =	sdelay $0xd  }
0x1ae: {  	_, v6, vm0 =	vpop (xrf1);
	_ =	sdelay $0x4  }
0x1af: {  	v6 =	vadd.s32 v6, v3  }
0x1b0: {  	[tilespmem:v5+s10+$0x0] =	vst.idx.add.s32.msk vm0, v6  }
0x1b1: {  	v5 =	vld [tilespmem:s16+$0xFFFFFFF0];
	_ =	sdelay $0x4  }
0x1b2: {  	v5 =	vshrl.u32 v5, $0x14  }
0x1b3: {  	v5 =	vand.u32 $0x1F, v5  }
0x1b4: {  	(xrf1) =	vunique.msk.u32 $0xffff, v5;
	_ =	sdelay $0xd  }
0x1b5: {  	_, v6, vm0 =	vpop (xrf1);
	_ =	sdelay $0x4  }
0x1b6: {  	v6 =	vadd.s32 v6, v3  }
0x1b7: {  	[tilespmem:v5+s10+$0x0] =	vst.idx.add.s32.msk vm0, v6  }
0x1b8: {  	v5 =	vld [tilespmem:s16+$0x0];
	_ =	sdelay $0x4  }
0x1b9: {  	v5 =	vshrl.u32 v5, $0x14  }
0x1ba: {  	v5 =	vand.u32 $0x1F, v5  }
0x1bb: {  	(xrf1) =	vunique.msk.u32 $0xffff, v5;
	_ =	sdelay $0xd  }
0x1bc: {  	_, v6, vm0 =	vpop (xrf1);
	_ =	sdelay $0x4  }
0x1bd: {  	v6 =	vadd.s32 v6, v3  }
0x1be: {  	[tilespmem:v5+s10+$0x0] =	vst.idx.add.s32.msk vm0, v6  }
0x1bf: {  	v5 =	vld [tilespmem:s16+$0x10];
	_ =	sdelay $0x4  }
0x1c0: {  	v5 =	vshrl.u32 v5, $0x14  }
0x1c1: {  	v5 =	vand.u32 $0x1F, v5  }
0x1c2: {  	(xrf1) =	vunique.msk.u32 $0xffff, v5;
	_ =	sdelay $0xd  }
0x1c3: {  	s15 =	sadd.s32 $0x4, s15;
	_, v6, vm0 =	vpop (xrf1)  }
0x1c4: {  	p0 =	slt.u32 s15, $0x1FC  }
.Ltmp8:
0x1c5: {  	_ = 	snop;
	(pc) =	sbr.rel @p0 .LBB2_18-.Ltmp8, $3  }
0x1c6: {  	_ =	sdelay $0x1  }
0x1c7: {  	v6 =	vadd.s32 v6, v3  }
0x1c8: {  	s16 =	sadd.s32 $0x40, s16;
	[tilespmem:v5+s10+$0x0] =	vst.idx.add.s32.msk vm0, v6  }
0x1c9: {  	v5 =	vld [tilespmem:$0x8010];
	_ =	sdelay $0x4  }
0x1ca: {  	v5 =	vperm.xlane v5, v4;
	_ =	sdelay $0x1  }
0x1cb: {  	v6 =	vld [tilespmem:$0x8000];
	(xrf0) =	vadd.scan.msk.s32 $0xffff, v5;
	_ =	sdelay $0x4  }
0x1cc: {  	v6 =	vperm.xlane v6, v4  }
0x1cd: {  	v7, _, _ =	vpop (xrf0)  }
0x1ce: {  	(xrf0) =	vadd.scan.msk.s32 $0xffff, v6;
	v8 =	vxor.u32 $0x80000000, v7  }
0x1cf: {  	(xrf0) =	vmax.scan.msk.u32 $0xffff, v8;
	_ =	sdelay $0x4  }
0x1d0: {  	v63, _, _ =	vpop (xrf0)  }
0x1d1: {  	v9, _, _ =	vpop (xrf0)  }
0x1d2: {  	(v2sf) =	vpush v9, $0xF;
	_ =	sdelay $0xe  }
0x1d3: {  	s15 =	spop (v2sf)  }
0x1d4: {  	v5 =	vsub.s32 v7, v5;
	v6 =	vsub.s32 v63, v6;
	s15 =	sxor.u32 $0x80000000, s15  }
0x1d5: {  	v5 =	vperm.xlane v5, v4;
	v6 =	vadd.s32 s15, v6  }
0x1d6: {  	v6 =	vperm.xlane v6, v4  }
0x1d7: {  	[tilespmem:$0x8010] =	vst v5  }
0x1d8: {  	s16 =	simm.s32 $0x4020;
	s17 =	simm.s32 $0x20;
	s15 =	simm.s32 $0xFFFFFFFC;
	[tilespmem:$0x8000] =	vst v6  }
.LBB2_20:
0x1d9: {  	v5 =	vld [tilespmem:s17+$0xFFFFFFE0];
	_ =	sdelay $0x4  }
0x1da: {  	v6 =	vshrl.u32 v5, $0x14  }
0x1db: {  	v6 =	vand.u32 $0x1F, v6  }
0x1dc: {  	(xrf1) =	vunique.msk.u32 $0xffff, v6;
	_ =	sdelay $0xa  }
0x1dd: {  	v7 =	vld.idx.msk [tilespmem:v6+s10+$0x0], $0xffff;
	_ =	sdelay $0x2  }
0x1de: {  	_, v8, vm0 =	vpop (xrf1)  }
0x1df: {  	v8 =	vsub.s32 v8, v2  }
0x1e0: {  	v7 =	vadd.s32 v7, v8  }
0x1e1: {  	v9 =	vld [tilespmem:s16+$0xFFFFFFE0];
	_ =	sdelay $0x1  }
0x1e2: {  	v8 =	vadd.s32 $0x1, v8  }
0x1e3: {  	[tilespmem:v6+s10+$0x0] =	vst.idx.add.s32.msk vm0, v8  }
0x1e4: {  	[tilespmem:v7+s11+$0x0] =	vst.idx.msk $0xffff, v5  }
0x1e5: {  	[tilespmem:v7+s12+$0x0] =	vst.idx.msk $0xffff, v9  }
0x1e6: {  	v5 =	vld [tilespmem:s17+$0xFFFFFFF0];
	_ =	sdelay $0x4  }
0x1e7: {  	v6 =	vshrl.u32 v5, $0x14  }
0x1e8: {  	v6 =	vand.u32 $0x1F, v6  }
0x1e9: {  	(xrf1) =	vunique.msk.u32 $0xffff, v6;
	_ =	sdelay $0xa  }
0x1ea: {  	v7 =	vld.idx.msk [tilespmem:v6+s10+$0x0], $0xffff;
	_ =	sdelay $0x2  }
0x1eb: {  	_, v8, vm0 =	vpop (xrf1)  }
0x1ec: {  	v8 =	vsub.s32 v8, v2  }
0x1ed: {  	v7 =	vadd.s32 v7, v8  }
0x1ee: {  	v9 =	vld [tilespmem:s16+$0xFFFFFFF0];
	_ =	sdelay $0x1  }
0x1ef: {  	v8 =	vadd.s32 $0x1, v8  }
0x1f0: {  	[tilespmem:v6+s10+$0x0] =	vst.idx.add.s32.msk vm0, v8  }
0x1f1: {  	[tilespmem:v7+s11+$0x0] =	vst.idx.msk $0xffff, v5  }
0x1f2: {  	[tilespmem:v7+s12+$0x0] =	vst.idx.msk $0xffff, v9  }
0x1f3: {  	v5 =	vld [tilespmem:s17+$0x0];
	_ =	sdelay $0x4  }
0x1f4: {  	v6 =	vshrl.u32 v5, $0x14  }
0x1f5: {  	v6 =	vand.u32 $0x1F, v6  }
0x1f6: {  	(xrf1) =	vunique.msk.u32 $0xffff, v6;
	_ =	sdelay $0xa  }
0x1f7: {  	v7 =	vld.idx.msk [tilespmem:v6+s10+$0x0], $0xffff;
	_ =	sdelay $0x2  }
0x1f8: {  	_, v8, vm0 =	vpop (xrf1)  }
0x1f9: {  	v8 =	vsub.s32 v8, v2  }
0x1fa: {  	v7 =	vadd.s32 v7, v8  }
0x1fb: {  	v9 =	vld [tilespmem:s16+$0x0];
	_ =	sdelay $0x1  }
0x1fc: {  	v8 =	vadd.s32 $0x1, v8  }
0x1fd: {  	[tilespmem:v6+s10+$0x0] =	vst.idx.add.s32.msk vm0, v8  }
0x1fe: {  	[tilespmem:v7+s11+$0x0] =	vst.idx.msk $0xffff, v5  }
0x1ff: {  	[tilespmem:v7+s12+$0x0] =	vst.idx.msk $0xffff, v9  }
0x200: {  	v5 =	vld [tilespmem:s17+$0x10];
	_ =	sdelay $0x4  }
0x201: {  	v6 =	vshrl.u32 v5, $0x14  }
0x202: {  	v6 =	vand.u32 $0x1F, v6  }
0x203: {  	(xrf1) =	vunique.msk.u32 $0xffff, v6;
	_ =	sdelay $0xa  }
0x204: {  	v7 =	vld.idx.msk [tilespmem:v6+s10+$0x0], $0xffff;
	_ =	sdelay $0x2  }
0x205: {  	_, v8, vm0 =	vpop (xrf1)  }
0x206: {  	v8 =	vsub.s32 v8, v2  }
0x207: {  	s15 =	sadd.s32 $0x4, s15;
	v7 =	vadd.s32 v7, v8  }
0x208: {  	p0 =	slt.u32 s15, $0x1FC;
	v9 =	vld [tilespmem:s16+$0x10]  }
.Ltmp9:
0x209: {  	_ = 	snop;
	(pc) =	sbr.rel @p0 .LBB2_20-.Ltmp9, $4  }
0x20a: {  	v8 =	vadd.s32 $0x1, v8  }
0x20b: {  	[tilespmem:v6+s10+$0x0] =	vst.idx.add.s32.msk vm0, v8  }
0x20c: {  	[tilespmem:v7+s11+$0x0] =	vst.idx.msk $0xffff, v5  }
0x20d: {  	s16 =	sadd.s32 $0x40, s16;
	s17 =	sadd.s32 $0x40, s17;
	[tilespmem:v7+s12+$0x0] =	vst.idx.msk $0xffff, v9  }
0x20e: {  	[tilespmem:$0x8000] =	vst v0  }
0x20f: {  	[tilespmem:$0x8010] =	vst v0;
	s15 =	simm.s32 $0xFFFFFFFC;
	s16 =	simm.s32 $0x2020  }
.LBB2_22:
0x210: {  	v5 =	vld [tilespmem:s16+$0xFFFFFFE0];
	_ =	sdelay $0x4  }
0x211: {  	v5 =	vshrl.u32 v5, $0x19  }
0x212: {  	v5 =	vand.u32 $0x1F, v5  }
0x213: {  	(xrf1) =	vunique.msk.u32 $0xffff, v5;
	_ =	sdelay $0xd  }
0x214: {  	_, v6, vm0 =	vpop (xrf1);
	_ =	sdelay $0x4  }
0x215: {  	v6 =	vadd.s32 v6, v3  }
0x216: {  	[tilespmem:v5+s10+$0x0] =	vst.idx.add.s32.msk vm0, v6  }
0x217: {  	v5 =	vld [tilespmem:s16+$0xFFFFFFF0];
	_ =	sdelay $0x4  }
0x218: {  	v5 =	vshrl.u32 v5, $0x19  }
0x219: {  	v5 =	vand.u32 $0x1F, v5  }
0x21a: {  	(xrf1) =	vunique.msk.u32 $0xffff, v5;
	_ =	sdelay $0xd  }
0x21b: {  	_, v6, vm0 =	vpop (xrf1);
	_ =	sdelay $0x4  }
0x21c: {  	v6 =	vadd.s32 v6, v3  }
0x21d: {  	[tilespmem:v5+s10+$0x0] =	vst.idx.add.s32.msk vm0, v6  }
0x21e: {  	v5 =	vld [tilespmem:s16+$0x0];
	_ =	sdelay $0x4  }
0x21f: {  	v5 =	vshrl.u32 v5, $0x19  }
0x220: {  	v5 =	vand.u32 $0x1F, v5  }
0x221: {  	(xrf1) =	vunique.msk.u32 $0xffff, v5;
	_ =	sdelay $0xd  }
0x222: {  	_, v6, vm0 =	vpop (xrf1);
	_ =	sdelay $0x4  }
0x223: {  	v6 =	vadd.s32 v6, v3  }
0x224: {  	[tilespmem:v5+s10+$0x0] =	vst.idx.add.s32.msk vm0, v6  }
0x225: {  	v5 =	vld [tilespmem:s16+$0x10];
	_ =	sdelay $0x4  }
0x226: {  	v5 =	vshrl.u32 v5, $0x19  }
0x227: {  	v5 =	vand.u32 $0x1F, v5  }
0x228: {  	(xrf1) =	vunique.msk.u32 $0xffff, v5;
	_ =	sdelay $0xd  }
0x229: {  	s15 =	sadd.s32 $0x4, s15;
	_, v6, vm0 =	vpop (xrf1)  }
0x22a: {  	p0 =	slt.u32 s15, $0x1FC  }
.Ltmp10:
0x22b: {  	_ = 	snop;
	(pc) =	sbr.rel @p0 .LBB2_22-.Ltmp10, $3  }
0x22c: {  	_ =	sdelay $0x1  }
0x22d: {  	v6 =	vadd.s32 v6, v3  }
0x22e: {  	s16 =	sadd.s32 $0x40, s16;
	[tilespmem:v5+s10+$0x0] =	vst.idx.add.s32.msk vm0, v6  }
0x22f: {  	v5 =	vld [tilespmem:$0x8010];
	_ =	sdelay $0x4  }
0x230: {  	v5 =	vperm.xlane v5, v4;
	_ =	sdelay $0x1  }
0x231: {  	v6 =	vld [tilespmem:$0x8000];
	(xrf0) =	vadd.scan.msk.s32 $0xffff, v5;
	_ =	sdelay $0x4  }
0x232: {  	v6 =	vperm.xlane v6, v4  }
0x233: {  	v7, _, _ =	vpop (xrf0)  }
0x234: {  	(xrf0) =	vadd.scan.msk.s32 $0xffff, v6;
	v8 =	vxor.u32 $0x80000000, v7  }
0x235: {  	(xrf0) =	vmax.scan.msk.u32 $0xffff, v8;
	_ =	sdelay $0x4  }
0x236: {  	v63, _, _ =	vpop (xrf0)  }
0x237: {  	v9, _, _ =	vpop (xrf0)  }
0x238: {  	(v2sf) =	vpush v9, $0xF;
	_ =	sdelay $0xe  }
0x239: {  	s15 =	spop (v2sf)  }
0x23a: {  	v5 =	vsub.s32 v7, v5;
	v6 =	vsub.s32 v63, v6;
	s15 =	sxor.u32 $0x80000000, s15  }
0x23b: {  	v5 =	vperm.xlane v5, v4;
	v6 =	vadd.s32 s15, v6  }
0x23c: {  	v6 =	vperm.xlane v6, v4  }
0x23d: {  	[tilespmem:$0x8010] =	vst v5  }
0x23e: {  	s16 =	simm.s32 $0x6020;
	s17 =	simm.s32 $0x2020;
	s15 =	simm.s32 $0xFFFFFFFC;
	[tilespmem:$0x8000] =	vst v6  }
.LBB2_24:
0x23f: {  	v5 =	vld [tilespmem:s17+$0xFFFFFFE0];
	_ =	sdelay $0x4  }
0x240: {  	v6 =	vshrl.u32 v5, $0x19  }
0x241: {  	v6 =	vand.u32 $0x1F, v6  }
0x242: {  	(xrf1) =	vunique.msk.u32 $0xffff, v6;
	_ =	sdelay $0xa  }
0x243: {  	v7 =	vld.idx.msk [tilespmem:v6+s10+$0x0], $0xffff;
	_ =	sdelay $0x2  }
0x244: {  	_, v8, vm0 =	vpop (xrf1)  }
0x245: {  	v8 =	vsub.s32 v8, v2  }
0x246: {  	v7 =	vadd.s32 v7, v8  }
0x247: {  	v9 =	vld [tilespmem:s16+$0xFFFFFFE0];
	_ =	sdelay $0x1  }
0x248: {  	v8 =	vadd.s32 $0x1, v8  }
0x249: {  	[tilespmem:v6+s10+$0x0] =	vst.idx.add.s32.msk vm0, v8  }
0x24a: {  	[tilespmem:v7+s1+$0x0] =	vst.idx.msk $0xffff, v5  }
0x24b: {  	[tilespmem:v7+s13+$0x0] =	vst.idx.msk $0xffff, v9  }
0x24c: {  	v5 =	vld [tilespmem:s17+$0xFFFFFFF0];
	_ =	sdelay $0x4  }
0x24d: {  	v6 =	vshrl.u32 v5, $0x19  }
0x24e: {  	v6 =	vand.u32 $0x1F, v6  }
0x24f: {  	(xrf1) =	vunique.msk.u32 $0xffff, v6;
	_ =	sdelay $0xa  }
0x250: {  	v7 =	vld.idx.msk [tilespmem:v6+s10+$0x0], $0xffff;
	_ =	sdelay $0x2  }
0x251: {  	_, v8, vm0 =	vpop (xrf1)  }
0x252: {  	v8 =	vsub.s32 v8, v2  }
0x253: {  	v7 =	vadd.s32 v7, v8  }
0x254: {  	v9 =	vld [tilespmem:s16+$0xFFFFFFF0];
	_ =	sdelay $0x1  }
0x255: {  	v8 =	vadd.s32 $0x1, v8  }
0x256: {  	[tilespmem:v6+s10+$0x0] =	vst.idx.add.s32.msk vm0, v8  }
0x257: {  	[tilespmem:v7+s1+$0x0] =	vst.idx.msk $0xffff, v5  }
0x258: {  	[tilespmem:v7+s13+$0x0] =	vst.idx.msk $0xffff, v9  }
0x259: {  	v5 =	vld [tilespmem:s17+$0x0];
	_ =	sdelay $0x4  }
0x25a: {  	v6 =	vshrl.u32 v5, $0x19  }
0x25b: {  	v6 =	vand.u32 $0x1F, v6  }
0x25c: {  	(xrf1) =	vunique.msk.u32 $0xffff, v6;
	_ =	sdelay $0xa  }
0x25d: {  	v7 =	vld.idx.msk [tilespmem:v6+s10+$0x0], $0xffff;
	_ =	sdelay $0x2  }
0x25e: {  	_, v8, vm0 =	vpop (xrf1)  }
0x25f: {  	v8 =	vsub.s32 v8, v2  }
0x260: {  	v7 =	vadd.s32 v7, v8  }
0x261: {  	v9 =	vld [tilespmem:s16+$0x0];
	_ =	sdelay $0x1  }
0x262: {  	v8 =	vadd.s32 $0x1, v8  }
0x263: {  	[tilespmem:v6+s10+$0x0] =	vst.idx.add.s32.msk vm0, v8  }
0x264: {  	[tilespmem:v7+s1+$0x0] =	vst.idx.msk $0xffff, v5  }
0x265: {  	[tilespmem:v7+s13+$0x0] =	vst.idx.msk $0xffff, v9  }
0x266: {  	v5 =	vld [tilespmem:s17+$0x10];
	_ =	sdelay $0x4  }
0x267: {  	v6 =	vshrl.u32 v5, $0x19  }
0x268: {  	v6 =	vand.u32 $0x1F, v6  }
0x269: {  	(xrf1) =	vunique.msk.u32 $0xffff, v6;
	_ =	sdelay $0xa  }
0x26a: {  	v7 =	vld.idx.msk [tilespmem:v6+s10+$0x0], $0xffff;
	_ =	sdelay $0x2  }
0x26b: {  	_, v8, vm0 =	vpop (xrf1)  }
0x26c: {  	v8 =	vsub.s32 v8, v2  }
0x26d: {  	s15 =	sadd.s32 $0x4, s15;
	v7 =	vadd.s32 v7, v8  }
0x26e: {  	p0 =	slt.u32 s15, $0x1FC;
	v9 =	vld [tilespmem:s16+$0x10]  }
.Ltmp11:
0x26f: {  	_ = 	snop;
	(pc) =	sbr.rel @p0 .LBB2_24-.Ltmp11, $4  }
0x270: {  	v8 =	vadd.s32 $0x1, v8  }
0x271: {  	[tilespmem:v6+s10+$0x0] =	vst.idx.add.s32.msk vm0, v8  }
0x272: {  	[tilespmem:v7+s1+$0x0] =	vst.idx.msk $0xffff, v5  }
0x273: {  	s16 =	sadd.s32 $0x40, s16;
	s17 =	sadd.s32 $0x40, s17;
	[tilespmem:v7+s13+$0x0] =	vst.idx.msk $0xffff, v9  }
0x274: {  	[hbm4b:s4+s7] =	stream.strided.scatter [tilespmem:s1], [sflag:$0x1], $0x1400, s8, s7, $0x38;
	[tilespmem:$0x8080] =	vst v63  }
0x275: {  	s14 =	sadd.s32 $0x1, s14;
	_ =	swait.ge [sflag:s9], $0x1400  }
0x276: {  	p0 =	sne.s32 s14, s6;
	[sflag:s9] =	ssyncset.done $0x0  }
.Ltmp12:
0x277: {  	[sflag:s9] =	ssyncadd.s32 $0xFFFFEC00;
	(pc) =	sbr.rel @p0 .LBB2_1-.Ltmp12, $4  }
0x278: {  	[hbm4b:s5+s7] =	stream.strided.scatter [tilespmem:s13], [sflag:$0x1], $0x1400, s8, s7, $0x38;
	[tilespmem:$0x8080] =	vst v63  }
0x279: {  	_ =	swait.ge [sflag:s9], $0x1400  }
0x27a: {  	[sflag:s9] =	ssyncset.done $0x0  }
0x27b: {  	[sflag:s9] =	ssyncadd.s32 $0xFFFFEC00  }
0x27c: {  	_ =	sfence.sel $0x180000  }
0x27d: {  	[bflag:$0x0] =	sbarrier.arrive $0xFFFF  }
0x27e: {  	p0 =	sne.s32 s2, $0x0;
	_ =	strace $0x90000047  }
0x27f: {  	s0 =	sadd.s32 @!p0 $0x100000, s0;
	[bflag:$0x2] =	sbarrier.arrive $0xFFFF  }
0x280: {  	[sflag:s0] =	ssyncadd.tile.s32 @!p0 $0x1;
	_ =	shalt  }
.Lfunc_end2:
_tile_overlayer_lowered:
.L_overlay_start_2:
0x281: {  	(tag) =	ssettag $0x2  }
0x282: {  	s0 =	rddreg [dreg:$0x0];
	s2 =	stileid.u32  }
0x283: {  	s1 =	rddreg [dreg:$0x1];
	p0 =	sne.s32 s2, $0x0  }
0x284: {  	s3 =	rddreg [dreg:$0x2];
	[bflag:$0x3] =	sbarrier.arrive $0xFFFF;
	s2 =	simm.s32 @!p0 $0x1C01  }
0x285: {  	[timem:s3], [sflag:s2] =	dma.local @!p0 [hbm:s0], s1  }
0x286: {  	s0 =	simm.s32 @!p0 $0x1  }
0x287: {  	_ =	swait.ge @!p0 [sflag:s0], s1  }
0x288: {  	s1 =	ssub.s32 @!p0 $0x0, s1;
	[sflag:s0] =	ssyncset.done @!p0 $0x0  }
0x289: {  	[sflag:s0] =	ssyncadd.s32 @!p0 s1  }
0x28a: {  	[bflag:$0x3] =	sbarrier.arrive $0xFFFF  }
0x28b: {  	_ =	shalt  }

</sc_bundles>
